<compile_context>
chip_gen: v7x
topology: tpu7x:2x2x1
jax: 0.10.2.dev20260603
libtpu: 0.0.44.dev20260713+nightly
codegen_flags: <defaults>
</compile_context>

<pallas_src>
import functools

import jax
import jax.numpy as jnp
from jax import lax
from jax.experimental import pallas as pl
from jax.experimental.pallas import tpu as pltpu
from jax.experimental.pallas import tpu_sc as plsc

NC = 2
NS = 16
NW = NC * NS
L = 16

BINS = 256
B, CH, H, W = 32, 3, 512, 512
PIX = H * W
CHUNK = 16384
CHUNKS_PER_SLAB = PIX // CHUNK
B_SC = 25
NCHUNK = B_SC * CHUNKS_PER_SLAB // 8
UNROLL = 32
VECS = CHUNK // L


ROWS = CHUNK // W


def _chunk_coords(p, g):
    c = p * NCHUNK + g
    return c // CHUNKS_PER_SLAB, (c % CHUNKS_PER_SLAB) * ROWS


def _sc_body(img1_ref, img2_ref, out_ref, buf0, buf1, hist,
             sem0, sem1):
    c = lax.axis_index("c")
    s = lax.axis_index("s")
    wid = s * NC + c
    hist_id = wid // 8
    ch = lax.rem(hist_id, 2)
    p = lax.rem(wid, 8)
    on_img1 = hist_id < 2

    zeros = jnp.zeros((L,), jnp.float32)
    ones = jnp.ones((L,), jnp.float32)
    c256 = jnp.full((L,), 256.0, jnp.float32)

    for j in range(BINS // L):
        hist[pl.ds(j * L, L)] = zeros

    bufs = (buf0, buf1)
    sems = (sem0, sem1)

    def start_dma(g, b):
        batch, row0 = _chunk_coords(p, g)

        @pl.when(on_img1)
        def _():
            pltpu.async_copy(img1_ref.at[batch, ch, pl.ds(row0, ROWS), :],
                             bufs[b], sems[b])

        @pl.when(jnp.logical_not(on_img1))
        def _():
            pltpu.async_copy(img2_ref.at[batch, ch, pl.ds(row0, ROWS), :],
                             bufs[b], sems[b])

    def wait_dma(b):
        pltpu.make_async_copy(
            img1_ref.at[0, 0, pl.ds(0, ROWS), :], bufs[b], sems[b]).wait()

    def accumulate(buf):
        gpr = W // (UNROLL * L)

        lag = 8

        def inner(g, carry):
            row = g // gpr if gpr > 1 else g
            base = (g % gpr) * (UNROLL * L) if gpr > 1 else 0
            xs = [buf[row, pl.ds(base + u * L, L)] for u in range(UNROLL)]
            idxs = [None] * UNROLL
            for u in range(UNROLL):
                idxs[u] = (xs[u] * c256).astype(jnp.int32)
                if u >= lag:
                    plsc.addupdate_scatter(hist, [idxs[u - lag]], ones)
            for u in range(UNROLL - lag, UNROLL):
                plsc.addupdate_scatter(hist, [idxs[u]], ones)
            return carry

        lax.fori_loop(0, VECS // UNROLL, inner, 0)

    start_dma(jnp.int32(0), 0)
    start_dma(jnp.int32(1), 1)

    def ring_body(i, carry):
        for b in range(2):
            g = 2 * i + b
            wait_dma(b)
            accumulate(bufs[b])

            @pl.when(g + 2 < NCHUNK)
            def _():
                start_dma(g + 2, b)
        return carry

    lax.fori_loop(0, NCHUNK // 2, ring_body, 0)

    pltpu.sync_copy(hist, out_ref.at[wid])


def _sc_partial_hists(img1_flat, img2_flat):
    mesh = plsc.VectorSubcoreMesh(core_axis_name="c", subcore_axis_name="s")
    fn = functools.partial(
        pl.kernel,
        mesh=mesh,
        out_type=jax.ShapeDtypeStruct((NW, BINS), jnp.float32),
        scratch_types=[
            pltpu.VMEM((ROWS, W), jnp.float32),
            pltpu.VMEM((ROWS, W), jnp.float32),
            pltpu.VMEM((BINS,), jnp.float32),
            pltpu.SemaphoreType.DMA,
            pltpu.SemaphoreType.DMA,
        ],
        compiler_params=pltpu.CompilerParams(needs_layout_passes=False),
    )(_sc_body)
    return fn(img1_flat, img2_flat)


def _tc_hist_body(x_ref, o_ref):
    b = pl.program_id(1)
    x = x_ref[0, 0]
    iota = lax.broadcasted_iota(jnp.int32, (1, 16, 1), 1)
    acc = jnp.zeros((16, 16), jnp.float32)
    rows = 32
    for k in range(H // rows):
        xs = x[k * rows:(k + 1) * rows, :]
        idx = (xs * 256.0).astype(jnp.int32)[:, None, :]
        a = (lax.shift_right_logical(idx, 4) == iota).astype(jnp.float32)
        bb = ((idx & 15) == iota).astype(jnp.float32)
        part = jax.lax.dot_general(
            a, bb, (((2,), (2,)), ((0,), (0,))),
            preferred_element_type=jnp.float32)
        acc = acc + jnp.sum(part, axis=0)

    @pl.when(b == 0)
    def _():
        o_ref[...] = jnp.zeros_like(o_ref)

    o_ref[...] += acc[None]


def _tc_hists(img):
    return pl.pallas_call(
        _tc_hist_body,
        grid=(2, B - B_SC),
        in_specs=[pl.BlockSpec((1, 1, H, W), lambda c, b: (B_SC + b, c, 0, 0))],
        out_specs=pl.BlockSpec((1, 16, 16), lambda c, b: (c, 0, 0)),
        out_shape=jax.ShapeDtypeStruct((2, 16, 16), jnp.float32),
    )(img)


def _combine_body(h_ref, t1_ref, t2_ref, o_ref):
    h = h_ref[...]
    h0 = jnp.sum(h[0:8], axis=0) + t1_ref[0, :]
    h1 = jnp.sum(h[8:16], axis=0) + t1_ref[1, :]
    h2 = jnp.sum(h[16:24], axis=0) + t2_ref[0, :]
    h3 = jnp.sum(h[24:32], axis=0) + t2_ref[1, :]
    n0 = h0 / jnp.sum(h0)
    n1 = h1 / jnp.sum(h1)
    n2 = h2 / jnp.sum(h2)
    n3 = h3 / jnp.sum(h3)
    loss_red = jnp.sum((n0 - n2) ** 2) / BINS
    loss_green = jnp.sum((n1 - n3) ** 2) / BINS
    o_ref[0, 0] = (loss_red + loss_green) / 3.0


def _combine(partials, tc1, tc2):
    return pl.pallas_call(
        _combine_body,
        out_shape=jax.ShapeDtypeStruct((1, 1), jnp.float32),
        out_specs=pl.BlockSpec(memory_space=pltpu.SMEM),
    )(partials, tc1, tc2)


def kernel(img1, img2):
    partials = _sc_partial_hists(img1, img2)
    tc1 = _tc_hists(img1)
    tc2 = _tc_hists(img2)
    loss = _combine(partials, tc1.reshape(2, BINS), tc2.reshape(2, BINS))
    return loss[0, 0]

# --- scband reference (transcript-rebuilt; emitter-appended) ---
"""Pipeline reference for scband-histogram-loss-81965155877604 (READ-ONLY COPY).

The authoritative reference and input builder live on the scoring server;
editing this copy changes nothing except your own understanding.
"""

import jax, jax.numpy as jnp
import numpy as np

BINS = 256

def _histc(x, bins=BINS, lo=0.0, hi=1.0):
    # Faithful torch.histc: equal-width bins on [lo, hi], values outside ignored,
    # values == hi fall into last bin.
    xf = x.ravel()
    valid = (xf >= lo) & (xf <= hi)
    idx = jnp.floor((xf - lo) / (hi - lo) * bins).astype(jnp.int32)
    idx = jnp.clip(idx, 0, bins - 1)
    hist = jnp.zeros((bins,), dtype=jnp.float32).at[idx].add(valid.astype(jnp.float32))
    hist = hist / hist.sum()
    return hist

def setup_inputs(seed: int = 0) -> dict:
    key = jax.random.key(seed)
    k1, k2 = jax.random.split(key)
    img1 = jax.random.uniform(k1, (32, 3, 512, 512), dtype=jnp.float32)
    img2 = jax.random.uniform(k2, (32, 3, 512, 512), dtype=jnp.float32)
    return {"img1": img1, "img2": img2}

def reference(img1, img2):
    hist1_red = _histc(img1[:, 0, :, :])
    hist1_green = _histc(img1[:, 1, :, :])
    hist2_red = _histc(img2[:, 0, :, :])
    hist2_green = _histc(img2[:, 1, :, :])
    loss_red = jnp.mean((hist1_red - hist2_red) ** 2)
    loss_green = jnp.mean((hist1_green - hist2_green) ** 2)
    loss = (loss_red + loss_green) / 3.0
    return loss

if __name__ == "__main__":
    import jax
    _d = setup_inputs()
    print(jax.jit(kernel)(*tuple(_d.values())))

</pallas_src>

<mosaic_0001>
#map = affine_map<(d0, d1) -> (0, 0, 0, 0)>
#map1 = affine_map<(d0, d1) -> (0, 0)>
module attributes {stable_mosaic.version = 14 : i64} {
  func.func @_sc_body(%arg0: i32, %arg1: i32, %arg2: memref<32x3x512x512xf32, #tpu.memory_space<hbm>>, %arg3: memref<32x3x512x512xf32, #tpu.memory_space<hbm>>, %arg4: memref<32x256xf32, #tpu.memory_space<hbm>>, %arg5: memref<32x512xf32, #tpu.memory_space<vmem>>, %arg6: memref<32x512xf32, #tpu.memory_space<vmem>>, %arg7: memref<256xf32, #tpu.memory_space<vmem>>, %arg8: memref<!tpu.dma_semaphore, #tpu.memory_space<semaphore_mem>>, %arg9: memref<!tpu.dma_semaphore, #tpu.memory_space<semaphore_mem>>) attributes {dimension_semantics = [#tpu.dimension_semantics<core_parallel>, #tpu.dimension_semantics<subcore_parallel>], iteration_bounds = array<i64: 2, 16>, scalar_prefetch = 0 : i64, scratch_operands = 5 : i64, tpu.core_type = #tpu.core_type<sc_vector_subcore>, window_params = [{transform_indices = #map}, {transform_indices = #map}, {transform_indices = #map1}]} {
    %mul3A = arith.constant 2 : i32
    %mul3A_0 = arith.muli %arg1, %mul3A : i32
    %add3A = arith.addi %mul3A_0, %arg0 : i32
    %jit3A = arith.constant 8 : i32
    %div3A = arith.divsi %add3A, %jit3A : i32
    %sign3A = arith.constant 0 : i32
    %sign3A_1 = arith.cmpi sgt, %add3A, %sign3A : i32
    %sign3A_2 = arith.extui %sign3A_1 : i1 to i32
    %sign3A_3 = arith.constant 0 : i32
    %sign3A_4 = arith.cmpi slt, %add3A, %sign3A_3 : i32
    %sign3A_5 = arith.extui %sign3A_4 : i1 to i32
    %sign3A_6 = arith.subi %sign3A_2, %sign3A_5 : i32
    %sign3A_7 = arith.constant 0 : i32
    %sign3A_8 = arith.cmpi sgt, %jit3A, %sign3A_7 : i32
    %sign3A_9 = arith.extui %sign3A_8 : i1 to i32
    %sign3A_10 = arith.constant 0 : i32
    %sign3A_11 = arith.cmpi slt, %jit3A, %sign3A_10 : i32
    %sign3A_12 = arith.extui %sign3A_11 : i1 to i32
    %sign3A_13 = arith.subi %sign3A_9, %sign3A_12 : i32
    %ne3A = arith.cmpi ne, %sign3A_6, %sign3A_13 : i32
    %rem3A = arith.remsi %add3A, %jit3A : i32
    %ne3A_14 = arith.constant 0 : i32
    %ne3A_15 = arith.cmpi ne, %rem3A, %ne3A_14 : i32
    %and3A = arith.andi %ne3A, %ne3A_15 : i1
    %sub3A = arith.constant 1 : i32
    %sub3A_16 = arith.subi %div3A, %sub3A : i32
    %select_n3A = arith.select %and3A, %sub3A_16, %div3A : i32
    %rem3A_17 = arith.constant 2 : i32
    %rem3A_18 = arith.remsi %select_n3A, %rem3A_17 : i32
    %rem3A_19 = arith.constant 8 : i32
    %rem3A_20 = arith.remsi %add3A, %rem3A_19 : i32
    %lt3A = arith.constant 2 : i32
    %lt3A_21 = arith.cmpi slt, %select_n3A, %lt3A : i32
    %broadcast_in_dim3A = arith.constant 0.000000e+00 : f32
    %broadcast_in_dim3A_22 = vector.broadcast %broadcast_in_dim3A : f32 to vector<16xf32>
    %broadcast_in_dim3A_23 = arith.constant 1.000000e+00 : f32
    %broadcast_in_dim3A_24 = vector.broadcast %broadcast_in_dim3A_23 : f32 to vector<16xf32>
    %broadcast_in_dim3A_25 = arith.constant 2.560000e+02 : f32
    %broadcast_in_dim3A_26 = vector.broadcast %broadcast_in_dim3A_25 : f32 to vector<16xf32>
    %swap3A = arith.constant 0 : index
    %swap3A_27 = tpu.vector_load %arg7[%swap3A] {strides = array<i32>} : memref<256xf32, #tpu.memory_space<vmem>>, vector<16xf32>,
    tpu.vector_store %arg7[%swap3A], %broadcast_in_dim3A_22 {strides = array<i32>} : memref<256xf32, #tpu.memory_space<vmem>>, vector<16xf32>,
    %swap3A_28 = arith.constant 16 : index
    %swap3A_29 = tpu.vector_load %arg7[%swap3A_28] {strides = array<i32>} : memref<256xf32, #tpu.memory_space<vmem>>, vector<16xf32>,
    tpu.vector_store %arg7[%swap3A_28], %broadcast_in_dim3A_22 {strides = array<i32>} : memref<256xf32, #tpu.memory_space<vmem>>, vector<16xf32>,
    %swap3A_30 = arith.constant 32 : index
    %swap3A_31 = tpu.vector_load %arg7[%swap3A_30] {strides = array<i32>} : memref<256xf32, #tpu.memory_space<vmem>>, vector<16xf32>,
    tpu.vector_store %arg7[%swap3A_30], %broadcast_in_dim3A_22 {strides = array<i32>} : memref<256xf32, #tpu.memory_space<vmem>>, vector<16xf32>,
    %swap3A_32 = arith.constant 48 : index
    %swap3A_33 = tpu.vector_load %arg7[%swap3A_32] {strides = array<i32>} : memref<256xf32, #tpu.memory_space<vmem>>, vector<16xf32>,
    tpu.vector_store %arg7[%swap3A_32], %broadcast_in_dim3A_22 {strides = array<i32>} : memref<256xf32, #tpu.memory_space<vmem>>, vector<16xf32>,
    %swap3A_34 = arith.constant 64 : index
    %swap3A_35 = tpu.vector_load %arg7[%swap3A_34] {strides = array<i32>} : memref<256xf32, #tpu.memory_space<vmem>>, vector<16xf32>,
    tpu.vector_store %arg7[%swap3A_34], %broadcast_in_dim3A_22 {strides = array<i32>} : memref<256xf32, #tpu.memory_space<vmem>>, vector<16xf32>,
    %swap3A_36 = arith.constant 80 : index
    %swap3A_37 = tpu.vector_load %arg7[%swap3A_36] {strides = array<i32>} : memref<256xf32, #tpu.memory_space<vmem>>, vector<16xf32>,
    tpu.vector_store %arg7[%swap3A_36], %broadcast_in_dim3A_22 {strides = array<i32>} : memref<256xf32, #tpu.memory_space<vmem>>, vector<16xf32>,
    %swap3A_38 = arith.constant 96 : index
    %swap3A_39 = tpu.vector_load %arg7[%swap3A_38] {strides = array<i32>} : memref<256xf32, #tpu.memory_space<vmem>>, vector<16xf32>,
    tpu.vector_store %arg7[%swap3A_38], %broadcast_in_dim3A_22 {strides = array<i32>} : memref<256xf32, #tpu.memory_space<vmem>>, vector<16xf32>,
    %swap3A_40 = arith.constant 112 : index
    %swap3A_41 = tpu.vector_load %arg7[%swap3A_40] {strides = array<i32>} : memref<256xf32, #tpu.memory_space<vmem>>, vector<16xf32>,
    tpu.vector_store %arg7[%swap3A_40], %broadcast_in_dim3A_22 {strides = array<i32>} : memref<256xf32, #tpu.memory_space<vmem>>, vector<16xf32>,
    %swap3A_42 = arith.constant 128 : index
    %swap3A_43 = tpu.vector_load %arg7[%swap3A_42] {strides = array<i32>} : memref<256xf32, #tpu.memory_space<vmem>>, vector<16xf32>,
    tpu.vector_store %arg7[%swap3A_42], %broadcast_in_dim3A_22 {strides = array<i32>} : memref<256xf32, #tpu.memory_space<vmem>>, vector<16xf32>,
    %swap3A_44 = arith.constant 144 : index
    %swap3A_45 = tpu.vector_load %arg7[%swap3A_44] {strides = array<i32>} : memref<256xf32, #tpu.memory_space<vmem>>, vector<16xf32>,
    tpu.vector_store %arg7[%swap3A_44], %broadcast_in_dim3A_22 {strides = array<i32>} : memref<256xf32, #tpu.memory_space<vmem>>, vector<16xf32>,
    %swap3A_46 = arith.constant 160 : index
    %swap3A_47 = tpu.vector_load %arg7[%swap3A_46] {strides = array<i32>} : memref<256xf32, #tpu.memory_space<vmem>>, vector<16xf32>,
    tpu.vector_store %arg7[%swap3A_46], %broadcast_in_dim3A_22 {strides = array<i32>} : memref<256xf32, #tpu.memory_space<vmem>>, vector<16xf32>,
    %swap3A_48 = arith.constant 176 : index
    %swap3A_49 = tpu.vector_load %arg7[%swap3A_48] {strides = array<i32>} : memref<256xf32, #tpu.memory_space<vmem>>, vector<16xf32>,
    tpu.vector_store %arg7[%swap3A_48], %broadcast_in_dim3A_22 {strides = array<i32>} : memref<256xf32, #tpu.memory_space<vmem>>, vector<16xf32>,
    %swap3A_50 = arith.constant 192 : index
    %swap3A_51 = tpu.vector_load %arg7[%swap3A_50] {strides = array<i32>} : memref<256xf32, #tpu.memory_space<vmem>>, vector<16xf32>,
    tpu.vector_store %arg7[%swap3A_50], %broadcast_in_dim3A_22 {strides = array<i32>} : memref<256xf32, #tpu.memory_space<vmem>>, vector<16xf32>,
    %swap3A_52 = arith.constant 208 : index
    %swap3A_53 = tpu.vector_load %arg7[%swap3A_52] {strides = array<i32>} : memref<256xf32, #tpu.memory_space<vmem>>, vector<16xf32>,
    tpu.vector_store %arg7[%swap3A_52], %broadcast_in_dim3A_22 {strides = array<i32>} : memref<256xf32, #tpu.memory_space<vmem>>, vector<16xf32>,
    %swap3A_54 = arith.constant 224 : index
    %swap3A_55 = tpu.vector_load %arg7[%swap3A_54] {strides = array<i32>} : memref<256xf32, #tpu.memory_space<vmem>>, vector<16xf32>,
    tpu.vector_store %arg7[%swap3A_54], %broadcast_in_dim3A_22 {strides = array<i32>} : memref<256xf32, #tpu.memory_space<vmem>>, vector<16xf32>,
    %swap3A_56 = arith.constant 240 : index
    %swap3A_57 = tpu.vector_load %arg7[%swap3A_56] {strides = array<i32>} : memref<256xf32, #tpu.memory_space<vmem>>, vector<16xf32>,
    tpu.vector_store %arg7[%swap3A_56], %broadcast_in_dim3A_22 {strides = array<i32>} : memref<256xf32, #tpu.memory_space<vmem>>, vector<16xf32>,
    %mul3A_58 = arith.constant 50 : i32
    %mul3A_59 = arith.muli %rem3A_20, %mul3A_58 : i32
    %add3A_60 = arith.constant 0 : i32
    %add3A_61 = arith.addi %mul3A_59, %add3A_60 : i32
    %jit3A_62 = arith.constant 16 : i32
    %div3A_63 = arith.divsi %add3A_61, %jit3A_62 : i32
    %sign3A_64 = arith.constant 0 : i32
    %sign3A_65 = arith.cmpi sgt, %add3A_61, %sign3A_64 : i32
    %sign3A_66 = arith.extui %sign3A_65 : i1 to i32
    %sign3A_67 = arith.constant 0 : i32
    %sign3A_68 = arith.cmpi slt, %add3A_61, %sign3A_67 : i32
    %sign3A_69 = arith.extui %sign3A_68 : i1 to i32
    %sign3A_70 = arith.subi %sign3A_66, %sign3A_69 : i32
    %sign3A_71 = arith.constant 0 : i32
    %sign3A_72 = arith.cmpi sgt, %jit3A_62, %sign3A_71 : i32
    %sign3A_73 = arith.extui %sign3A_72 : i1 to i32
    %sign3A_74 = arith.constant 0 : i32
    %sign3A_75 = arith.cmpi slt, %jit3A_62, %sign3A_74 : i32
    %sign3A_76 = arith.extui %sign3A_75 : i1 to i32
    %sign3A_77 = arith.subi %sign3A_73, %sign3A_76 : i32
    %ne3A_78 = arith.cmpi ne, %sign3A_70, %sign3A_77 : i32
    %rem3A_79 = arith.remsi %add3A_61, %jit3A_62 : i32
    %ne3A_80 = arith.constant 0 : i32
    %ne3A_81 = arith.cmpi ne, %rem3A_79, %ne3A_80 : i32
    %and3A_82 = arith.andi %ne3A_78, %ne3A_81 : i1
    %sub3A_83 = arith.constant 1 : i32
    %sub3A_84 = arith.subi %div3A_63, %sub3A_83 : i32
    %select_n3A_85 = arith.select %and3A_82, %sub3A_84, %div3A_63 : i32
    %jit3A_86 = arith.constant 16 : i32
    %eq3A = arith.constant 0 : i32
    %eq3A_87 = arith.cmpi eq, %jit3A_86, %eq3A : i32
    %jit3A_88 = arith.constant 1 : i32
    %select_n3A_89 = arith.select %eq3A_87, %jit3A_88, %jit3A_86 : i32
    %rem3A_90 = arith.remsi %add3A_61, %select_n3A_89 : i32
    %ne3A_91 = arith.constant 0 : i32
    %ne3A_92 = arith.cmpi ne, %rem3A_90, %ne3A_91 : i32
    %lt3A_93 = arith.constant 0 : i32
    %lt3A_94 = arith.cmpi slt, %rem3A_90, %lt3A_93 : i32
    %lt3A_95 = arith.constant 0 : i32
    %lt3A_96 = arith.cmpi slt, %select_n3A_89, %lt3A_95 : i32
    %ne3A_97 = arith.xori %lt3A_94, %lt3A_96 : i1
    %and3A_98 = arith.andi %ne3A_97, %ne3A_92 : i1
    %add3A_99 = arith.addi %rem3A_90, %select_n3A_89 : i32
    %select_n3A_100 = arith.select %and3A_98, %add3A_99, %rem3A_90 : i32
    %mul3A_101 = arith.constant 32 : i32
    %mul3A_102 = arith.muli %select_n3A_100, %mul3A_101 : i32
    %convert_element_type3A = arith.extui %lt3A_21 : i1 to i32
    %cond3A = arith.constant 0 : i32
    %cond3A_103 = arith.cmpi ne, %convert_element_type3A, %cond3A : i32
    scf.if %cond3A_103 {
      %dma_start3A = arith.constant 0 : i32
      %dma_start3A_167 = tpu.memref_slice %arg2[%select_n3A_85, %rem3A_18, %mul3A_102, %dma_start3A] : memref<32x3x512x512xf32, #tpu.memory_space<hbm>> -> memref<1x1x32x512xf32, #tpu.memory_space<hbm>>
      %dma_start3A_168 = tpu.memref_squeeze %dma_start3A_167 : memref<1x1x32x512xf32, #tpu.memory_space<hbm>> -> memref<32x512xf32, #tpu.memory_space<hbm>>
      %dma_start3A_169 = arith.constant 0 : i32
      %dma_start3A_170 = tpu.memref_slice %arg2[%select_n3A_85, %rem3A_18, %mul3A_102, %dma_start3A_169] : memref<32x3x512x512xf32, #tpu.memory_space<hbm>> -> memref<1x1x32x512xf32, #tpu.memory_space<hbm>>
      %dma_start3A_171 = tpu.memref_squeeze %dma_start3A_170 : memref<1x1x32x512xf32, #tpu.memory_space<hbm>> -> memref<32x512xf32, #tpu.memory_space<hbm>>
      tpu.enqueue_dma source(%dma_start3A_171 : memref<32x512xf32, #tpu.memory_space<hbm>>) target(%arg5 : memref<32x512xf32, #tpu.memory_space<vmem>>) target_semaphore(%arg8 : memref<!tpu.dma_semaphore, #tpu.memory_space<semaphore_mem>>)
    } else {
    }
    %not3A = arith.constant true
    %not3A_104 = arith.xori %lt3A_21, %not3A : i1
    %convert_element_type3A_105 = arith.extui %not3A_104 : i1 to i32
    %cond3A_106 = arith.constant 0 : i32
    %cond3A_107 = arith.cmpi ne, %convert_element_type3A_105, %cond3A_106 : i32
    scf.if %cond3A_107 {
      %dma_start3A = arith.constant 0 : i32
      %dma_start3A_167 = tpu.memref_slice %arg3[%select_n3A_85, %rem3A_18, %mul3A_102, %dma_start3A] : memref<32x3x512x512xf32, #tpu.memory_space<hbm>> -> memref<1x1x32x512xf32, #tpu.memory_space<hbm>>
      %dma_start3A_168 = tpu.memref_squeeze %dma_start3A_167 : memref<1x1x32x512xf32, #tpu.memory_space<hbm>> -> memref<32x512xf32, #tpu.memory_space<hbm>>
      %dma_start3A_169 = arith.constant 0 : i32
      %dma_start3A_170 = tpu.memref_slice %arg3[%select_n3A_85, %rem3A_18, %mul3A_102, %dma_start3A_169] : memref<32x3x512x512xf32, #tpu.memory_space<hbm>> -> memref<1x1x32x512xf32, #tpu.memory_space<hbm>>
      %dma_start3A_171 = tpu.memref_squeeze %dma_start3A_170 : memref<1x1x32x512xf32, #tpu.memory_space<hbm>> -> memref<32x512xf32, #tpu.memory_space<hbm>>
      tpu.enqueue_dma source(%dma_start3A_171 : memref<32x512xf32, #tpu.memory_space<hbm>>) target(%arg5 : memref<32x512xf32, #tpu.memory_space<vmem>>) target_semaphore(%arg8 : memref<!tpu.dma_semaphore, #tpu.memory_space<semaphore_mem>>)
    } else {
    }
    %mul3A_108 = arith.constant 50 : i32
    %mul3A_109 = arith.muli %rem3A_20, %mul3A_108 : i32
    %add3A_110 = arith.constant 1 : i32
    %add3A_111 = arith.addi %mul3A_109, %add3A_110 : i32
    %jit3A_112 = arith.constant 16 : i32
    %div3A_113 = arith.divsi %add3A_111, %jit3A_112 : i32
    %sign3A_114 = arith.constant 0 : i32
    %sign3A_115 = arith.cmpi sgt, %add3A_111, %sign3A_114 : i32
    %sign3A_116 = arith.extui %sign3A_115 : i1 to i32
    %sign3A_117 = arith.constant 0 : i32
    %sign3A_118 = arith.cmpi slt, %add3A_111, %sign3A_117 : i32
    %sign3A_119 = arith.extui %sign3A_118 : i1 to i32
    %sign3A_120 = arith.subi %sign3A_116, %sign3A_119 : i32
    %sign3A_121 = arith.constant 0 : i32
    %sign3A_122 = arith.cmpi sgt, %jit3A_112, %sign3A_121 : i32
    %sign3A_123 = arith.extui %sign3A_122 : i1 to i32
    %sign3A_124 = arith.constant 0 : i32
    %sign3A_125 = arith.cmpi slt, %jit3A_112, %sign3A_124 : i32
    %sign3A_126 = arith.extui %sign3A_125 : i1 to i32
    %sign3A_127 = arith.subi %sign3A_123, %sign3A_126 : i32
    %ne3A_128 = arith.cmpi ne, %sign3A_120, %sign3A_127 : i32
    %rem3A_129 = arith.remsi %add3A_111, %jit3A_112 : i32
    %ne3A_130 = arith.constant 0 : i32
    %ne3A_131 = arith.cmpi ne, %rem3A_129, %ne3A_130 : i32
    %and3A_132 = arith.andi %ne3A_128, %ne3A_131 : i1
    %sub3A_133 = arith.constant 1 : i32
    %sub3A_134 = arith.subi %div3A_113, %sub3A_133 : i32
    %select_n3A_135 = arith.select %and3A_132, %sub3A_134, %div3A_113 : i32
    %jit3A_136 = arith.constant 16 : i32
    %eq3A_137 = arith.constant 0 : i32
    %eq3A_138 = arith.cmpi eq, %jit3A_136, %eq3A_137 : i32
    %jit3A_139 = arith.constant 1 : i32
    %select_n3A_140 = arith.select %eq3A_138, %jit3A_139, %jit3A_136 : i32
    %rem3A_141 = arith.remsi %add3A_111, %select_n3A_140 : i32
    %ne3A_142 = arith.constant 0 : i32
    %ne3A_143 = arith.cmpi ne, %rem3A_141, %ne3A_142 : i32
    %lt3A_144 = arith.constant 0 : i32
    %lt3A_145 = arith.cmpi slt, %rem3A_141, %lt3A_144 : i32
    %lt3A_146 = arith.constant 0 : i32
    %lt3A_147 = arith.cmpi slt, %select_n3A_140, %lt3A_146 : i32
    %ne3A_148 = arith.xori %lt3A_145, %lt3A_147 : i1
    %and3A_149 = arith.andi %ne3A_148, %ne3A_143 : i1
    %add3A_150 = arith.addi %rem3A_141, %select_n3A_140 : i32
    %select_n3A_151 = arith.select %and3A_149, %add3A_150, %rem3A_141 : i32
    %mul3A_152 = arith.constant 32 : i32
    %mul3A_153 = arith.muli %select_n3A_151, %mul3A_152 : i32
    %convert_element_type3A_154 = arith.extui %lt3A_21 : i1 to i32
    %cond3A_155 = arith.constant 0 : i32
    %cond3A_156 = arith.cmpi ne, %convert_element_type3A_154, %cond3A_155 : i32
    scf.if %cond3A_156 {
      %dma_start3A = arith.constant 0 : i32
      %dma_start3A_167 = tpu.memref_slice %arg2[%select_n3A_135, %rem3A_18, %mul3A_153, %dma_start3A] : memref<32x3x512x512xf32, #tpu.memory_space<hbm>> -> memref<1x1x32x512xf32, #tpu.memory_space<hbm>>
      %dma_start3A_168 = tpu.memref_squeeze %dma_start3A_167 : memref<1x1x32x512xf32, #tpu.memory_space<hbm>> -> memref<32x512xf32, #tpu.memory_space<hbm>>
      %dma_start3A_169 = arith.constant 0 : i32
      %dma_start3A_170 = tpu.memref_slice %arg2[%select_n3A_135, %rem3A_18, %mul3A_153, %dma_start3A_169] : memref<32x3x512x512xf32, #tpu.memory_space<hbm>> -> memref<1x1x32x512xf32, #tpu.memory_space<hbm>>
      %dma_start3A_171 = tpu.memref_squeeze %dma_start3A_170 : memref<1x1x32x512xf32, #tpu.memory_space<hbm>> -> memref<32x512xf32, #tpu.memory_space<hbm>>
      tpu.enqueue_dma source(%dma_start3A_171 : memref<32x512xf32, #tpu.memory_space<hbm>>) target(%arg6 : memref<32x512xf32, #tpu.memory_space<vmem>>) target_semaphore(%arg9 : memref<!tpu.dma_semaphore, #tpu.memory_space<semaphore_mem>>)
    } else {
    }
    %not3A_157 = arith.constant true
    %not3A_158 = arith.xori %lt3A_21, %not3A_157 : i1
    %convert_element_type3A_159 = arith.extui %not3A_158 : i1 to i32
    %cond3A_160 = arith.constant 0 : i32
    %cond3A_161 = arith.cmpi ne, %convert_element_type3A_159, %cond3A_160 : i32
    scf.if %cond3A_161 {
      %dma_start3A = arith.constant 0 : i32
      %dma_start3A_167 = tpu.memref_slice %arg3[%select_n3A_135, %rem3A_18, %mul3A_153, %dma_start3A] : memref<32x3x512x512xf32, #tpu.memory_space<hbm>> -> memref<1x1x32x512xf32, #tpu.memory_space<hbm>>
      %dma_start3A_168 = tpu.memref_squeeze %dma_start3A_167 : memref<1x1x32x512xf32, #tpu.memory_space<hbm>> -> memref<32x512xf32, #tpu.memory_space<hbm>>
      %dma_start3A_169 = arith.constant 0 : i32
      %dma_start3A_170 = tpu.memref_slice %arg3[%select_n3A_135, %rem3A_18, %mul3A_153, %dma_start3A_169] : memref<32x3x512x512xf32, #tpu.memory_space<hbm>> -> memref<1x1x32x512xf32, #tpu.memory_space<hbm>>
      %dma_start3A_171 = tpu.memref_squeeze %dma_start3A_170 : memref<1x1x32x512xf32, #tpu.memory_space<hbm>> -> memref<32x512xf32, #tpu.memory_space<hbm>>
      tpu.enqueue_dma source(%dma_start3A_171 : memref<32x512xf32, #tpu.memory_space<hbm>>) target(%arg6 : memref<32x512xf32, #tpu.memory_space<vmem>>) target_semaphore(%arg9 : memref<!tpu.dma_semaphore, #tpu.memory_space<semaphore_mem>>)
    } else {
    }
    %scan3A = arith.constant 0 : i32
    %scan3A_162 = arith.constant 0 : i32
    %scan3A_163 = arith.constant 25 : i32
    %scan3A_164 = arith.addi %scan3A_162, %scan3A_163 : i32
    %scan3A_165 = arith.constant 1 : i32
    scf.for %scan3A_167 = %scan3A_162 to %scan3A_164 step %scan3A_165  : i32 {
      %mul3A_168 = arith.constant 2 : i32
      %mul3A_169 = arith.muli %mul3A_168, %scan3A_167 : i32
      %add3A_170 = arith.constant 0 : i32
      %add3A_171 = arith.addi %mul3A_169, %add3A_170 : i32
      %dma_wait3A = arith.constant 0 : i32
      %dma_wait3A_172 = arith.constant 0 : i32
      %dma_wait3A_173 = arith.constant 0 : i32
      %dma_wait3A_174 = arith.constant 0 : i32
      %dma_wait3A_175 = tpu.memref_slice %arg2[%dma_wait3A, %dma_wait3A_172, %dma_wait3A_173, %dma_wait3A_174] : memref<32x3x512x512xf32, #tpu.memory_space<hbm>> -> memref<1x1x32x512xf32, #tpu.memory_space<hbm>>
      %dma_wait3A_176 = tpu.memref_squeeze %dma_wait3A_175 : memref<1x1x32x512xf32, #tpu.memory_space<hbm>> -> memref<32x512xf32, #tpu.memory_space<hbm>>
      %dma_wait3A_177 = arith.constant 0 : i32
      %dma_wait3A_178 = arith.constant 0 : i32
      %dma_wait3A_179 = tpu.memref_slice %arg2[%dma_wait3A, %dma_wait3A_172, %dma_wait3A_177, %dma_wait3A_178] : memref<32x3x512x512xf32, #tpu.memory_space<hbm>> -> memref<1x1x32x512xf32, #tpu.memory_space<hbm>>
      %dma_wait3A_180 = tpu.memref_squeeze %dma_wait3A_179 : memref<1x1x32x512xf32, #tpu.memory_space<hbm>> -> memref<32x512xf32, #tpu.memory_space<hbm>>
      tpu.wait_dma2 semaphore(%arg8 : memref<!tpu.dma_semaphore, #tpu.memory_space<semaphore_mem>>) src(%dma_wait3A_180 : memref<32x512xf32, #tpu.memory_space<hbm>>) dst(%arg5 : memref<32x512xf32, #tpu.memory_space<vmem>>)
      %scan3A_181 = arith.constant 0 : i32
      %scan3A_182 = arith.constant 0 : i32
      %scan3A_183 = arith.constant 32 : i32
      %scan3A_184 = arith.addi %scan3A_182, %scan3A_183 : i32
      %scan3A_185 = arith.constant 1 : i32
      scf.for %scan3A_221 = %scan3A_182 to %scan3A_184 step %scan3A_185  : i32 {
        %get3A = arith.index_cast %scan3A_221 : i32 to index
        %get3A_222 = arith.constant 0 : index
        %get3A_223 = tpu.vector_load %arg5[%get3A, %get3A_222] {strides = array<i32>} : memref<32x512xf32, #tpu.memory_space<vmem>>, vector<16xf32>,
        %get3A_224 = arith.index_cast %scan3A_221 : i32 to index
        %get3A_225 = arith.constant 16 : index
        %get3A_226 = tpu.vector_load %arg5[%get3A_224, %get3A_225] {strides = array<i32>} : memref<32x512xf32, #tpu.memory_space<vmem>>, vector<16xf32>,
        %get3A_227 = arith.index_cast %scan3A_221 : i32 to index
        %get3A_228 = arith.constant 32 : index
        %get3A_229 = tpu.vector_load %arg5[%get3A_227, %get3A_228] {strides = array<i32>} : memref<32x512xf32, #tpu.memory_space<vmem>>, vector<16xf32>,
        %get3A_230 = arith.index_cast %scan3A_221 : i32 to index
        %get3A_231 = arith.constant 48 : index
        %get3A_232 = tpu.vector_load %arg5[%get3A_230, %get3A_231] {strides = array<i32>} : memref<32x512xf32, #tpu.memory_space<vmem>>, vector<16xf32>,
        %get3A_233 = arith.index_cast %scan3A_221 : i32 to index
        %get3A_234 = arith.constant 64 : index
        %get3A_235 = tpu.vector_load %arg5[%get3A_233, %get3A_234] {strides = array<i32>} : memref<32x512xf32, #tpu.memory_space<vmem>>, vector<16xf32>,
        %get3A_236 = arith.index_cast %scan3A_221 : i32 to index
        %get3A_237 = arith.constant 80 : index
        %get3A_238 = tpu.vector_load %arg5[%get3A_236, %get3A_237] {strides = array<i32>} : memref<32x512xf32, #tpu.memory_space<vmem>>, vector<16xf32>,
        %get3A_239 = arith.index_cast %scan3A_221 : i32 to index
        %get3A_240 = arith.constant 96 : index
        %get3A_241 = tpu.vector_load %arg5[%get3A_239, %get3A_240] {strides = array<i32>} : memref<32x512xf32, #tpu.memory_space<vmem>>, vector<16xf32>,
        %get3A_242 = arith.index_cast %scan3A_221 : i32 to index
        %get3A_243 = arith.constant 112 : index
        %get3A_244 = tpu.vector_load %arg5[%get3A_242, %get3A_243] {strides = array<i32>} : memref<32x512xf32, #tpu.memory_space<vmem>>, vector<16xf32>,
        %get3A_245 = arith.index_cast %scan3A_221 : i32 to index
        %get3A_246 = arith.constant 128 : index
        %get3A_247 = tpu.vector_load %arg5[%get3A_245, %get3A_246] {strides = array<i32>} : memref<32x512xf32, #tpu.memory_space<vmem>>, vector<16xf32>,
        %get3A_248 = arith.index_cast %scan3A_221 : i32 to index
        %get3A_249 = arith.constant 144 : index
        %get3A_250 = tpu.vector_load %arg5[%get3A_248, %get3A_249] {strides = array<i32>} : memref<32x512xf32, #tpu.memory_space<vmem>>, vector<16xf32>,
        %get3A_251 = arith.index_cast %scan3A_221 : i32 to index
        %get3A_252 = arith.constant 160 : index
        %get3A_253 = tpu.vector_load %arg5[%get3A_251, %get3A_252] {strides = array<i32>} : memref<32x512xf32, #tpu.memory_space<vmem>>, vector<16xf32>,
        %get3A_254 = arith.index_cast %scan3A_221 : i32 to index
        %get3A_255 = arith.constant 176 : index
        %get3A_256 = tpu.vector_load %arg5[%get3A_254, %get3A_255] {strides = array<i32>} : memref<32x512xf32, #tpu.memory_space<vmem>>, vector<16xf32>,
        %get3A_257 = arith.index_cast %scan3A_221 : i32 to index
        %get3A_258 = arith.constant 192 : index
        %get3A_259 = tpu.vector_load %arg5[%get3A_257, %get3A_258] {strides = array<i32>} : memref<32x512xf32, #tpu.memory_space<vmem>>, vector<16xf32>,
        %get3A_260 = arith.index_cast %scan3A_221 : i32 to index
        %get3A_261 = arith.constant 208 : index
        %get3A_262 = tpu.vector_load %arg5[%get3A_260, %get3A_261] {strides = array<i32>} : memref<32x512xf32, #tpu.memory_space<vmem>>, vector<16xf32>,
        %get3A_263 = arith.index_cast %scan3A_221 : i32 to index
        %get3A_264 = arith.constant 224 : index
        %get3A_265 = tpu.vector_load %arg5[%get3A_263, %get3A_264] {strides = array<i32>} : memref<32x512xf32, #tpu.memory_space<vmem>>, vector<16xf32>,
        %get3A_266 = arith.index_cast %scan3A_221 : i32 to index
        %get3A_267 = arith.constant 240 : index
        %get3A_268 = tpu.vector_load %arg5[%get3A_266, %get3A_267] {strides = array<i32>} : memref<32x512xf32, #tpu.memory_space<vmem>>, vector<16xf32>,
        %get3A_269 = arith.index_cast %scan3A_221 : i32 to index
        %get3A_270 = arith.constant 256 : index
        %get3A_271 = tpu.vector_load %arg5[%get3A_269, %get3A_270] {strides = array<i32>} : memref<32x512xf32, #tpu.memory_space<vmem>>, vector<16xf32>,
        %get3A_272 = arith.index_cast %scan3A_221 : i32 to index
        %get3A_273 = arith.constant 272 : index
        %get3A_274 = tpu.vector_load %arg5[%get3A_272, %get3A_273] {strides = array<i32>} : memref<32x512xf32, #tpu.memory_space<vmem>>, vector<16xf32>,
        %get3A_275 = arith.index_cast %scan3A_221 : i32 to index
        %get3A_276 = arith.constant 288 : index
        %get3A_277 = tpu.vector_load %arg5[%get3A_275, %get3A_276] {strides = array<i32>} : memref<32x512xf32, #tpu.memory_space<vmem>>, vector<16xf32>,
        %get3A_278 = arith.index_cast %scan3A_221 : i32 to index
        %get3A_279 = arith.constant 304 : index
        %get3A_280 = tpu.vector_load %arg5[%get3A_278, %get3A_279] {strides = array<i32>} : memref<32x512xf32, #tpu.memory_space<vmem>>, vector<16xf32>,
        %get3A_281 = arith.index_cast %scan3A_221 : i32 to index
        %get3A_282 = arith.constant 320 : index
        %get3A_283 = tpu.vector_load %arg5[%get3A_281, %get3A_282] {strides = array<i32>} : memref<32x512xf32, #tpu.memory_space<vmem>>, vector<16xf32>,
        %get3A_284 = arith.index_cast %scan3A_221 : i32 to index
        %get3A_285 = arith.constant 336 : index
        %get3A_286 = tpu.vector_load %arg5[%get3A_284, %get3A_285] {strides = array<i32>} : memref<32x512xf32, #tpu.memory_space<vmem>>, vector<16xf32>,
        %get3A_287 = arith.index_cast %scan3A_221 : i32 to index
        %get3A_288 = arith.constant 352 : index
        %get3A_289 = tpu.vector_load %arg5[%get3A_287, %get3A_288] {strides = array<i32>} : memref<32x512xf32, #tpu.memory_space<vmem>>, vector<16xf32>,
        %get3A_290 = arith.index_cast %scan3A_221 : i32 to index
        %get3A_291 = arith.constant 368 : index
        %get3A_292 = tpu.vector_load %arg5[%get3A_290, %get3A_291] {strides = array<i32>} : memref<32x512xf32, #tpu.memory_space<vmem>>, vector<16xf32>,
        %get3A_293 = arith.index_cast %scan3A_221 : i32 to index
        %get3A_294 = arith.constant 384 : index
        %get3A_295 = tpu.vector_load %arg5[%get3A_293, %get3A_294] {strides = array<i32>} : memref<32x512xf32, #tpu.memory_space<vmem>>, vector<16xf32>,
        %get3A_296 = arith.index_cast %scan3A_221 : i32 to index
        %get3A_297 = arith.constant 400 : index
        %get3A_298 = tpu.vector_load %arg5[%get3A_296, %get3A_297] {strides = array<i32>} : memref<32x512xf32, #tpu.memory_space<vmem>>, vector<16xf32>,
        %get3A_299 = arith.index_cast %scan3A_221 : i32 to index
        %get3A_300 = arith.constant 416 : index
        %get3A_301 = tpu.vector_load %arg5[%get3A_299, %get3A_300] {strides = array<i32>} : memref<32x512xf32, #tpu.memory_space<vmem>>, vector<16xf32>,
        %get3A_302 = arith.index_cast %scan3A_221 : i32 to index
        %get3A_303 = arith.constant 432 : index
        %get3A_304 = tpu.vector_load %arg5[%get3A_302, %get3A_303] {strides = array<i32>} : memref<32x512xf32, #tpu.memory_space<vmem>>, vector<16xf32>,
        %get3A_305 = arith.index_cast %scan3A_221 : i32 to index
        %get3A_306 = arith.constant 448 : index
        %get3A_307 = tpu.vector_load %arg5[%get3A_305, %get3A_306] {strides = array<i32>} : memref<32x512xf32, #tpu.memory_space<vmem>>, vector<16xf32>,
        %get3A_308 = arith.index_cast %scan3A_221 : i32 to index
        %get3A_309 = arith.constant 464 : index
        %get3A_310 = tpu.vector_load %arg5[%get3A_308, %get3A_309] {strides = array<i32>} : memref<32x512xf32, #tpu.memory_space<vmem>>, vector<16xf32>,
        %get3A_311 = arith.index_cast %scan3A_221 : i32 to index
        %get3A_312 = arith.constant 480 : index
        %get3A_313 = tpu.vector_load %arg5[%get3A_311, %get3A_312] {strides = array<i32>} : memref<32x512xf32, #tpu.memory_space<vmem>>, vector<16xf32>,
        %get3A_314 = arith.index_cast %scan3A_221 : i32 to index
        %get3A_315 = arith.constant 496 : index
        %get3A_316 = tpu.vector_load %arg5[%get3A_314, %get3A_315] {strides = array<i32>} : memref<32x512xf32, #tpu.memory_space<vmem>>, vector<16xf32>,
        %mul3A_317 = arith.mulf %get3A_223, %broadcast_in_dim3A_26 : vector<16xf32>
        %convert_element_type3A_318 = arith.fptosi %mul3A_317 : vector<16xf32> to vector<16xi32>
        %mul3A_319 = arith.mulf %get3A_226, %broadcast_in_dim3A_26 : vector<16xf32>
        %convert_element_type3A_320 = arith.fptosi %mul3A_319 : vector<16xf32> to vector<16xi32>
        %mul3A_321 = arith.mulf %get3A_229, %broadcast_in_dim3A_26 : vector<16xf32>
        %convert_element_type3A_322 = arith.fptosi %mul3A_321 : vector<16xf32> to vector<16xi32>
        %mul3A_323 = arith.mulf %get3A_232, %broadcast_in_dim3A_26 : vector<16xf32>
        %convert_element_type3A_324 = arith.fptosi %mul3A_323 : vector<16xf32> to vector<16xi32>
        %mul3A_325 = arith.mulf %get3A_235, %broadcast_in_dim3A_26 : vector<16xf32>
        %convert_element_type3A_326 = arith.fptosi %mul3A_325 : vector<16xf32> to vector<16xi32>
        %mul3A_327 = arith.mulf %get3A_238, %broadcast_in_dim3A_26 : vector<16xf32>
        %convert_element_type3A_328 = arith.fptosi %mul3A_327 : vector<16xf32> to vector<16xi32>
        %mul3A_329 = arith.mulf %get3A_241, %broadcast_in_dim3A_26 : vector<16xf32>
        %convert_element_type3A_330 = arith.fptosi %mul3A_329 : vector<16xf32> to vector<16xi32>
        %mul3A_331 = arith.mulf %get3A_244, %broadcast_in_dim3A_26 : vector<16xf32>
        %convert_element_type3A_332 = arith.fptosi %mul3A_331 : vector<16xf32> to vector<16xi32>
        %mul3A_333 = arith.mulf %get3A_247, %broadcast_in_dim3A_26 : vector<16xf32>
        %convert_element_type3A_334 = arith.fptosi %mul3A_333 : vector<16xf32> to vector<16xi32>
        tpu.vector_store_idx %arg7[%convert_element_type3A_318], %broadcast_in_dim3A_24 {add = true} : memref<256xf32, #tpu.memory_space<vmem>>[vector<16xi32>], vector<16xf32>,
        %mul3A_335 = arith.mulf %get3A_250, %broadcast_in_dim3A_26 : vector<16xf32>
        %convert_element_type3A_336 = arith.fptosi %mul3A_335 : vector<16xf32> to vector<16xi32>
        tpu.vector_store_idx %arg7[%convert_element_type3A_320], %broadcast_in_dim3A_24 {add = true} : memref<256xf32, #tpu.memory_space<vmem>>[vector<16xi32>], vector<16xf32>,
        %mul3A_337 = arith.mulf %get3A_253, %broadcast_in_dim3A_26 : vector<16xf32>
        %convert_element_type3A_338 = arith.fptosi %mul3A_337 : vector<16xf32> to vector<16xi32>
        tpu.vector_store_idx %arg7[%convert_element_type3A_322], %broadcast_in_dim3A_24 {add = true} : memref<256xf32, #tpu.memory_space<vmem>>[vector<16xi32>], vector<16xf32>,
        %mul3A_339 = arith.mulf %get3A_256, %broadcast_in_dim3A_26 : vector<16xf32>
        %convert_element_type3A_340 = arith.fptosi %mul3A_339 : vector<16xf32> to vector<16xi32>
        tpu.vector_store_idx %arg7[%convert_element_type3A_324], %broadcast_in_dim3A_24 {add = true} : memref<256xf32, #tpu.memory_space<vmem>>[vector<16xi32>], vector<16xf32>,
        %mul3A_341 = arith.mulf %get3A_259, %broadcast_in_dim3A_26 : vector<16xf32>
        %convert_element_type3A_342 = arith.fptosi %mul3A_341 : vector<16xf32> to vector<16xi32>
        tpu.vector_store_idx %arg7[%convert_element_type3A_326], %broadcast_in_dim3A_24 {add = true} : memref<256xf32, #tpu.memory_space<vmem>>[vector<16xi32>], vector<16xf32>,
        %mul3A_343 = arith.mulf %get3A_262, %broadcast_in_dim3A_26 : vector<16xf32>
        %convert_element_type3A_344 = arith.fptosi %mul3A_343 : vector<16xf32> to vector<16xi32>
        tpu.vector_store_idx %arg7[%convert_element_type3A_328], %broadcast_in_dim3A_24 {add = true} : memref<256xf32, #tpu.memory_space<vmem>>[vector<16xi32>], vector<16xf32>,
        %mul3A_345 = arith.mulf %get3A_265, %broadcast_in_dim3A_26 : vector<16xf32>
        %convert_element_type3A_346 = arith.fptosi %mul3A_345 : vector<16xf32> to vector<16xi32>
        tpu.vector_store_idx %arg7[%convert_element_type3A_330], %broadcast_in_dim3A_24 {add = true} : memref<256xf32, #tpu.memory_space<vmem>>[vector<16xi32>], vector<16xf32>,
        %mul3A_347 = arith.mulf %get3A_268, %broadcast_in_dim3A_26 : vector<16xf32>
        %convert_element_type3A_348 = arith.fptosi %mul3A_347 : vector<16xf32> to vector<16xi32>
        tpu.vector_store_idx %arg7[%convert_element_type3A_332], %broadcast_in_dim3A_24 {add = true} : memref<256xf32, #tpu.memory_space<vmem>>[vector<16xi32>], vector<16xf32>,
        %mul3A_349 = arith.mulf %get3A_271, %broadcast_in_dim3A_26 : vector<16xf32>
        %convert_element_type3A_350 = arith.fptosi %mul3A_349 : vector<16xf32> to vector<16xi32>
        tpu.vector_store_idx %arg7[%convert_element_type3A_334], %broadcast_in_dim3A_24 {add = true} : memref<256xf32, #tpu.memory_space<vmem>>[vector<16xi32>], vector<16xf32>,
        %mul3A_351 = arith.mulf %get3A_274, %broadcast_in_dim3A_26 : vector<16xf32>
        %convert_element_type3A_352 = arith.fptosi %mul3A_351 : vector<16xf32> to vector<16xi32>
        tpu.vector_store_idx %arg7[%convert_element_type3A_336], %broadcast_in_dim3A_24 {add = true} : memref<256xf32, #tpu.memory_space<vmem>>[vector<16xi32>], vector<16xf32>,
        %mul3A_353 = arith.mulf %get3A_277, %broadcast_in_dim3A_26 : vector<16xf32>
        %convert_element_type3A_354 = arith.fptosi %mul3A_353 : vector<16xf32> to vector<16xi32>
        tpu.vector_store_idx %arg7[%convert_element_type3A_338], %broadcast_in_dim3A_24 {add = true} : memref<256xf32, #tpu.memory_space<vmem>>[vector<16xi32>], vector<16xf32>,
        %mul3A_355 = arith.mulf %get3A_280, %broadcast_in_dim3A_26 : vector<16xf32>
        %convert_element_type3A_356 = arith.fptosi %mul3A_355 : vector<16xf32> to vector<16xi32>
        tpu.vector_store_idx %arg7[%convert_element_type3A_340], %broadcast_in_dim3A_24 {add = true} : memref<256xf32, #tpu.memory_space<vmem>>[vector<16xi32>], vector<16xf32>,
        %mul3A_357 = arith.mulf %get3A_283, %broadcast_in_dim3A_26 : vector<16xf32>
        %convert_element_type3A_358 = arith.fptosi %mul3A_357 : vector<16xf32> to vector<16xi32>
        tpu.vector_store_idx %arg7[%convert_element_type3A_342], %broadcast_in_dim3A_24 {add = true} : memref<256xf32, #tpu.memory_space<vmem>>[vector<16xi32>], vector<16xf32>,
        %mul3A_359 = arith.mulf %get3A_286, %broadcast_in_dim3A_26 : vector<16xf32>
        %convert_element_type3A_360 = arith.fptosi %mul3A_359 : vector<16xf32> to vector<16xi32>
        tpu.vector_store_idx %arg7[%convert_element_type3A_344], %broadcast_in_dim3A_24 {add = true} : memref<256xf32, #tpu.memory_space<vmem>>[vector<16xi32>], vector<16xf32>,
        %mul3A_361 = arith.mulf %get3A_289, %broadcast_in_dim3A_26 : vector<16xf32>
        %convert_element_type3A_362 = arith.fptosi %mul3A_361 : vector<16xf32> to vector<16xi32>
        tpu.vector_store_idx %arg7[%convert_element_type3A_346], %broadcast_in_dim3A_24 {add = true} : memref<256xf32, #tpu.memory_space<vmem>>[vector<16xi32>], vector<16xf32>,
        %mul3A_363 = arith.mulf %get3A_292, %broadcast_in_dim3A_26 : vector<16xf32>
        %convert_element_type3A_364 = arith.fptosi %mul3A_363 : vector<16xf32> to vector<16xi32>
        tpu.vector_store_idx %arg7[%convert_element_type3A_348], %broadcast_in_dim3A_24 {add = true} : memref<256xf32, #tpu.memory_space<vmem>>[vector<16xi32>], vector<16xf32>,
        %mul3A_365 = arith.mulf %get3A_295, %broadcast_in_dim3A_26 : vector<16xf32>
        %convert_element_type3A_366 = arith.fptosi %mul3A_365 : vector<16xf32> to vector<16xi32>
        tpu.vector_store_idx %arg7[%convert_element_type3A_350], %broadcast_in_dim3A_24 {add = true} : memref<256xf32, #tpu.memory_space<vmem>>[vector<16xi32>], vector<16xf32>,
        %mul3A_367 = arith.mulf %get3A_298, %broadcast_in_dim3A_26 : vector<16xf32>
        %convert_element_type3A_368 = arith.fptosi %mul3A_367 : vector<16xf32> to vector<16xi32>
        tpu.vector_store_idx %arg7[%convert_element_type3A_352], %broadcast_in_dim3A_24 {add = true} : memref<256xf32, #tpu.memory_space<vmem>>[vector<16xi32>], vector<16xf32>,
        %mul3A_369 = arith.mulf %get3A_301, %broadcast_in_dim3A_26 : vector<16xf32>
        %convert_element_type3A_370 = arith.fptosi %mul3A_369 : vector<16xf32> to vector<16xi32>
        tpu.vector_store_idx %arg7[%convert_element_type3A_354], %broadcast_in_dim3A_24 {add = true} : memref<256xf32, #tpu.memory_space<vmem>>[vector<16xi32>], vector<16xf32>,
        %mul3A_371 = arith.mulf %get3A_304, %broadcast_in_dim3A_26 : vector<16xf32>
        %convert_element_type3A_372 = arith.fptosi %mul3A_371 : vector<16xf32> to vector<16xi32>
        tpu.vector_store_idx %arg7[%convert_element_type3A_356], %broadcast_in_dim3A_24 {add = true} : memref<256xf32, #tpu.memory_space<vmem>>[vector<16xi32>], vector<16xf32>,
        %mul3A_373 = arith.mulf %get3A_307, %broadcast_in_dim3A_26 : vector<16xf32>
        %convert_element_type3A_374 = arith.fptosi %mul3A_373 : vector<16xf32> to vector<16xi32>
        tpu.vector_store_idx %arg7[%convert_element_type3A_358], %broadcast_in_dim3A_24 {add = true} : memref<256xf32, #tpu.memory_space<vmem>>[vector<16xi32>], vector<16xf32>,
        %mul3A_375 = arith.mulf %get3A_310, %broadcast_in_dim3A_26 : vector<16xf32>
        %convert_element_type3A_376 = arith.fptosi %mul3A_375 : vector<16xf32> to vector<16xi32>
        tpu.vector_store_idx %arg7[%convert_element_type3A_360], %broadcast_in_dim3A_24 {add = true} : memref<256xf32, #tpu.memory_space<vmem>>[vector<16xi32>], vector<16xf32>,
        %mul3A_377 = arith.mulf %get3A_313, %broadcast_in_dim3A_26 : vector<16xf32>
        %convert_element_type3A_378 = arith.fptosi %mul3A_377 : vector<16xf32> to vector<16xi32>
        tpu.vector_store_idx %arg7[%convert_element_type3A_362], %broadcast_in_dim3A_24 {add = true} : memref<256xf32, #tpu.memory_space<vmem>>[vector<16xi32>], vector<16xf32>,
        %mul3A_379 = arith.mulf %get3A_316, %broadcast_in_dim3A_26 : vector<16xf32>
        %convert_element_type3A_380 = arith.fptosi %mul3A_379 : vector<16xf32> to vector<16xi32>
        tpu.vector_store_idx %arg7[%convert_element_type3A_364], %broadcast_in_dim3A_24 {add = true} : memref<256xf32, #tpu.memory_space<vmem>>[vector<16xi32>], vector<16xf32>,
        tpu.vector_store_idx %arg7[%convert_element_type3A_366], %broadcast_in_dim3A_24 {add = true} : memref<256xf32, #tpu.memory_space<vmem>>[vector<16xi32>], vector<16xf32>,
        tpu.vector_store_idx %arg7[%convert_element_type3A_368], %broadcast_in_dim3A_24 {add = true} : memref<256xf32, #tpu.memory_space<vmem>>[vector<16xi32>], vector<16xf32>,
        tpu.vector_store_idx %arg7[%convert_element_type3A_370], %broadcast_in_dim3A_24 {add = true} : memref<256xf32, #tpu.memory_space<vmem>>[vector<16xi32>], vector<16xf32>,
        tpu.vector_store_idx %arg7[%convert_element_type3A_372], %broadcast_in_dim3A_24 {add = true} : memref<256xf32, #tpu.memory_space<vmem>>[vector<16xi32>], vector<16xf32>,
        tpu.vector_store_idx %arg7[%convert_element_type3A_374], %broadcast_in_dim3A_24 {add = true} : memref<256xf32, #tpu.memory_space<vmem>>[vector<16xi32>], vector<16xf32>,
        tpu.vector_store_idx %arg7[%convert_element_type3A_376], %broadcast_in_dim3A_24 {add = true} : memref<256xf32, #tpu.memory_space<vmem>>[vector<16xi32>], vector<16xf32>,
        tpu.vector_store_idx %arg7[%convert_element_type3A_378], %broadcast_in_dim3A_24 {add = true} : memref<256xf32, #tpu.memory_space<vmem>>[vector<16xi32>], vector<16xf32>,
        tpu.vector_store_idx %arg7[%convert_element_type3A_380], %broadcast_in_dim3A_24 {add = true} : memref<256xf32, #tpu.memory_space<vmem>>[vector<16xi32>], vector<16xf32>,
      }
      %scan3A_186 = arith.constant 32 : i32
      %add3A_187 = arith.constant 2 : i32
      %add3A_188 = arith.addi %add3A_171, %add3A_187 : i32
      %lt3A_189 = arith.constant 50 : i32
      %lt3A_190 = arith.cmpi slt, %add3A_188, %lt3A_189 : i32
      %convert_element_type3A_191 = arith.extui %lt3A_190 : i1 to i32
      %cond3A_192 = arith.constant 0 : i32
      %cond3A_193 = arith.cmpi ne, %convert_element_type3A_191, %cond3A_192 : i32
      scf.if %cond3A_193 {
        %add3A_221 = arith.constant 2 : i32
        %add3A_222 = arith.addi %add3A_171, %add3A_221 : i32
        %mul3A_223 = arith.constant 50 : i32
        %mul3A_224 = arith.muli %rem3A_20, %mul3A_223 : i32
        %add3A_225 = arith.addi %mul3A_224, %add3A_222 : i32
        %jit3A_226 = arith.constant 16 : i32
        %div3A_227 = arith.divsi %add3A_225, %jit3A_226 : i32
        %sign3A_228 = arith.constant 0 : i32
        %sign3A_229 = arith.cmpi sgt, %add3A_225, %sign3A_228 : i32
        %sign3A_230 = arith.extui %sign3A_229 : i1 to i32
        %sign3A_231 = arith.constant 0 : i32
        %sign3A_232 = arith.cmpi slt, %add3A_225, %sign3A_231 : i32
        %sign3A_233 = arith.extui %sign3A_232 : i1 to i32
        %sign3A_234 = arith.subi %sign3A_230, %sign3A_233 : i32
        %sign3A_235 = arith.constant 0 : i32
        %sign3A_236 = arith.cmpi sgt, %jit3A_226, %sign3A_235 : i32
        %sign3A_237 = arith.extui %sign3A_236 : i1 to i32
        %sign3A_238 = arith.constant 0 : i32
        %sign3A_239 = arith.cmpi slt, %jit3A_226, %sign3A_238 : i32
        %sign3A_240 = arith.extui %sign3A_239 : i1 to i32
        %sign3A_241 = arith.subi %sign3A_237, %sign3A_240 : i32
        %ne3A_242 = arith.cmpi ne, %sign3A_234, %sign3A_241 : i32
        %rem3A_243 = arith.remsi %add3A_225, %jit3A_226 : i32
        %ne3A_244 = arith.constant 0 : i32
        %ne3A_245 = arith.cmpi ne, %rem3A_243, %ne3A_244 : i32
        %and3A_246 = arith.andi %ne3A_242, %ne3A_245 : i1
        %sub3A_247 = arith.constant 1 : i32
        %sub3A_248 = arith.subi %div3A_227, %sub3A_247 : i32
        %select_n3A_249 = arith.select %and3A_246, %sub3A_248, %div3A_227 : i32
        %jit3A_250 = arith.constant 16 : i32
        %eq3A_251 = arith.constant 0 : i32
        %eq3A_252 = arith.cmpi eq, %jit3A_250, %eq3A_251 : i32
        %jit3A_253 = arith.constant 1 : i32
        %select_n3A_254 = arith.select %eq3A_252, %jit3A_253, %jit3A_250 : i32
        %rem3A_255 = arith.remsi %add3A_225, %select_n3A_254 : i32
        %ne3A_256 = arith.constant 0 : i32
        %ne3A_257 = arith.cmpi ne, %rem3A_255, %ne3A_256 : i32
        %lt3A_258 = arith.constant 0 : i32
        %lt3A_259 = arith.cmpi slt, %rem3A_255, %lt3A_258 : i32
        %lt3A_260 = arith.constant 0 : i32
        %lt3A_261 = arith.cmpi slt, %select_n3A_254, %lt3A_260 : i32
        %ne3A_262 = arith.xori %lt3A_259, %lt3A_261 : i1
        %and3A_263 = arith.andi %ne3A_262, %ne3A_257 : i1
        %add3A_264 = arith.addi %rem3A_255, %select_n3A_254 : i32
        %select_n3A_265 = arith.select %and3A_263, %add3A_264, %rem3A_255 : i32
        %mul3A_266 = arith.constant 32 : i32
        %mul3A_267 = arith.muli %select_n3A_265, %mul3A_266 : i32
        %convert_element_type3A_268 = arith.extui %lt3A_21 : i1 to i32
        %cond3A_269 = arith.constant 0 : i32
        %cond3A_270 = arith.cmpi ne, %convert_element_type3A_268, %cond3A_269 : i32
        scf.if %cond3A_270 {
          %dma_start3A = arith.constant 0 : i32
          %dma_start3A_276 = tpu.memref_slice %arg2[%select_n3A_249, %rem3A_18, %mul3A_267, %dma_start3A] : memref<32x3x512x512xf32, #tpu.memory_space<hbm>> -> memref<1x1x32x512xf32, #tpu.memory_space<hbm>>
          %dma_start3A_277 = tpu.memref_squeeze %dma_start3A_276 : memref<1x1x32x512xf32, #tpu.memory_space<hbm>> -> memref<32x512xf32, #tpu.memory_space<hbm>>
          %dma_start3A_278 = arith.constant 0 : i32
          %dma_start3A_279 = tpu.memref_slice %arg2[%select_n3A_249, %rem3A_18, %mul3A_267, %dma_start3A_278] : memref<32x3x512x512xf32, #tpu.memory_space<hbm>> -> memref<1x1x32x512xf32, #tpu.memory_space<hbm>>
          %dma_start3A_280 = tpu.memref_squeeze %dma_start3A_279 : memref<1x1x32x512xf32, #tpu.memory_space<hbm>> -> memref<32x512xf32, #tpu.memory_space<hbm>>
          tpu.enqueue_dma source(%dma_start3A_280 : memref<32x512xf32, #tpu.memory_space<hbm>>) target(%arg5 : memref<32x512xf32, #tpu.memory_space<vmem>>) target_semaphore(%arg8 : memref<!tpu.dma_semaphore, #tpu.memory_space<semaphore_mem>>)
        } else {
        }
        %not3A_271 = arith.constant true
        %not3A_272 = arith.xori %lt3A_21, %not3A_271 : i1
        %convert_element_type3A_273 = arith.extui %not3A_272 : i1 to i32
        %cond3A_274 = arith.constant 0 : i32
        %cond3A_275 = arith.cmpi ne, %convert_element_type3A_273, %cond3A_274 : i32
        scf.if %cond3A_275 {
          %dma_start3A = arith.constant 0 : i32
          %dma_start3A_276 = tpu.memref_slice %arg3[%select_n3A_249, %rem3A_18, %mul3A_267, %dma_start3A] : memref<32x3x512x512xf32, #tpu.memory_space<hbm>> -> memref<1x1x32x512xf32, #tpu.memory_space<hbm>>
          %dma_start3A_277 = tpu.memref_squeeze %dma_start3A_276 : memref<1x1x32x512xf32, #tpu.memory_space<hbm>> -> memref<32x512xf32, #tpu.memory_space<hbm>>
          %dma_start3A_278 = arith.constant 0 : i32
          %dma_start3A_279 = tpu.memref_slice %arg3[%select_n3A_249, %rem3A_18, %mul3A_267, %dma_start3A_278] : memref<32x3x512x512xf32, #tpu.memory_space<hbm>> -> memref<1x1x32x512xf32, #tpu.memory_space<hbm>>
          %dma_start3A_280 = tpu.memref_squeeze %dma_start3A_279 : memref<1x1x32x512xf32, #tpu.memory_space<hbm>> -> memref<32x512xf32, #tpu.memory_space<hbm>>
          tpu.enqueue_dma source(%dma_start3A_280 : memref<32x512xf32, #tpu.memory_space<hbm>>) target(%arg5 : memref<32x512xf32, #tpu.memory_space<vmem>>) target_semaphore(%arg8 : memref<!tpu.dma_semaphore, #tpu.memory_space<semaphore_mem>>)
        } else {
        }
      } else {
      }
      %mul3A_194 = arith.constant 2 : i32
      %mul3A_195 = arith.muli %mul3A_194, %scan3A_167 : i32
      %add3A_196 = arith.constant 1 : i32
      %add3A_197 = arith.addi %mul3A_195, %add3A_196 : i32
      %dma_wait3A_198 = arith.constant 0 : i32
      %dma_wait3A_199 = arith.constant 0 : i32
      %dma_wait3A_200 = arith.constant 0 : i32
      %dma_wait3A_201 = arith.constant 0 : i32
      %dma_wait3A_202 = tpu.memref_slice %arg2[%dma_wait3A_198, %dma_wait3A_199, %dma_wait3A_200, %dma_wait3A_201] : memref<32x3x512x512xf32, #tpu.memory_space<hbm>> -> memref<1x1x32x512xf32, #tpu.memory_space<hbm>>
      %dma_wait3A_203 = tpu.memref_squeeze %dma_wait3A_202 : memref<1x1x32x512xf32, #tpu.memory_space<hbm>> -> memref<32x512xf32, #tpu.memory_space<hbm>>
      %dma_wait3A_204 = arith.constant 0 : i32
      %dma_wait3A_205 = arith.constant 0 : i32
      %dma_wait3A_206 = tpu.memref_slice %arg2[%dma_wait3A_198, %dma_wait3A_199, %dma_wait3A_204, %dma_wait3A_205] : memref<32x3x512x512xf32, #tpu.memory_space<hbm>> -> memref<1x1x32x512xf32, #tpu.memory_space<hbm>>
      %dma_wait3A_207 = tpu.memref_squeeze %dma_wait3A_206 : memref<1x1x32x512xf32, #tpu.memory_space<hbm>> -> memref<32x512xf32, #tpu.memory_space<hbm>>
      tpu.wait_dma2 semaphore(%arg9 : memref<!tpu.dma_semaphore, #tpu.memory_space<semaphore_mem>>) src(%dma_wait3A_207 : memref<32x512xf32, #tpu.memory_space<hbm>>) dst(%arg6 : memref<32x512xf32, #tpu.memory_space<vmem>>)
      %scan3A_208 = arith.constant 0 : i32
      %scan3A_209 = arith.constant 0 : i32
      %scan3A_210 = arith.constant 32 : i32
      %scan3A_211 = arith.addi %scan3A_209, %scan3A_210 : i32
      %scan3A_212 = arith.constant 1 : i32
      scf.for %scan3A_221 = %scan3A_209 to %scan3A_211 step %scan3A_212  : i32 {
        %get3A = arith.index_cast %scan3A_221 : i32 to index
        %get3A_222 = arith.constant 0 : index
        %get3A_223 = tpu.vector_load %arg6[%get3A, %get3A_222] {strides = array<i32>} : memref<32x512xf32, #tpu.memory_space<vmem>>, vector<16xf32>,
        %get3A_224 = arith.index_cast %scan3A_221 : i32 to index
        %get3A_225 = arith.constant 16 : index
        %get3A_226 = tpu.vector_load %arg6[%get3A_224, %get3A_225] {strides = array<i32>} : memref<32x512xf32, #tpu.memory_space<vmem>>, vector<16xf32>,
        %get3A_227 = arith.index_cast %scan3A_221 : i32 to index
        %get3A_228 = arith.constant 32 : index
        %get3A_229 = tpu.vector_load %arg6[%get3A_227, %get3A_228] {strides = array<i32>} : memref<32x512xf32, #tpu.memory_space<vmem>>, vector<16xf32>,
        %get3A_230 = arith.index_cast %scan3A_221 : i32 to index
        %get3A_231 = arith.constant 48 : index
        %get3A_232 = tpu.vector_load %arg6[%get3A_230, %get3A_231] {strides = array<i32>} : memref<32x512xf32, #tpu.memory_space<vmem>>, vector<16xf32>,
        %get3A_233 = arith.index_cast %scan3A_221 : i32 to index
        %get3A_234 = arith.constant 64 : index
        %get3A_235 = tpu.vector_load %arg6[%get3A_233, %get3A_234] {strides = array<i32>} : memref<32x512xf32, #tpu.memory_space<vmem>>, vector<16xf32>,
        %get3A_236 = arith.index_cast %scan3A_221 : i32 to index
        %get3A_237 = arith.constant 80 : index
        %get3A_238 = tpu.vector_load %arg6[%get3A_236, %get3A_237] {strides = array<i32>} : memref<32x512xf32, #tpu.memory_space<vmem>>, vector<16xf32>,
        %get3A_239 = arith.index_cast %scan3A_221 : i32 to index
        %get3A_240 = arith.constant 96 : index
        %get3A_241 = tpu.vector_load %arg6[%get3A_239, %get3A_240] {strides = array<i32>} : memref<32x512xf32, #tpu.memory_space<vmem>>, vector<16xf32>,
        %get3A_242 = arith.index_cast %scan3A_221 : i32 to index
        %get3A_243 = arith.constant 112 : index
        %get3A_244 = tpu.vector_load %arg6[%get3A_242, %get3A_243] {strides = array<i32>} : memref<32x512xf32, #tpu.memory_space<vmem>>, vector<16xf32>,
        %get3A_245 = arith.index_cast %scan3A_221 : i32 to index
        %get3A_246 = arith.constant 128 : index
        %get3A_247 = tpu.vector_load %arg6[%get3A_245, %get3A_246] {strides = array<i32>} : memref<32x512xf32, #tpu.memory_space<vmem>>, vector<16xf32>,
        %get3A_248 = arith.index_cast %scan3A_221 : i32 to index
        %get3A_249 = arith.constant 144 : index
        %get3A_250 = tpu.vector_load %arg6[%get3A_248, %get3A_249] {strides = array<i32>} : memref<32x512xf32, #tpu.memory_space<vmem>>, vector<16xf32>,
        %get3A_251 = arith.index_cast %scan3A_221 : i32 to index
        %get3A_252 = arith.constant 160 : index
        %get3A_253 = tpu.vector_load %arg6[%get3A_251, %get3A_252] {strides = array<i32>} : memref<32x512xf32, #tpu.memory_space<vmem>>, vector<16xf32>,
        %get3A_254 = arith.index_cast %scan3A_221 : i32 to index
        %get3A_255 = arith.constant 176 : index
        %get3A_256 = tpu.vector_load %arg6[%get3A_254, %get3A_255] {strides = array<i32>} : memref<32x512xf32, #tpu.memory_space<vmem>>, vector<16xf32>,
        %get3A_257 = arith.index_cast %scan3A_221 : i32 to index
        %get3A_258 = arith.constant 192 : index
        %get3A_259 = tpu.vector_load %arg6[%get3A_257, %get3A_258] {strides = array<i32>} : memref<32x512xf32, #tpu.memory_space<vmem>>, vector<16xf32>,
        %get3A_260 = arith.index_cast %scan3A_221 : i32 to index
        %get3A_261 = arith.constant 208 : index
        %get3A_262 = tpu.vector_load %arg6[%get3A_260, %get3A_261] {strides = array<i32>} : memref<32x512xf32, #tpu.memory_space<vmem>>, vector<16xf32>,
        %get3A_263 = arith.index_cast %scan3A_221 : i32 to index
        %get3A_264 = arith.constant 224 : index
        %get3A_265 = tpu.vector_load %arg6[%get3A_263, %get3A_264] {strides = array<i32>} : memref<32x512xf32, #tpu.memory_space<vmem>>, vector<16xf32>,
        %get3A_266 = arith.index_cast %scan3A_221 : i32 to index
        %get3A_267 = arith.constant 240 : index
        %get3A_268 = tpu.vector_load %arg6[%get3A_266, %get3A_267] {strides = array<i32>} : memref<32x512xf32, #tpu.memory_space<vmem>>, vector<16xf32>,
        %get3A_269 = arith.index_cast %scan3A_221 : i32 to index
        %get3A_270 = arith.constant 256 : index
        %get3A_271 = tpu.vector_load %arg6[%get3A_269, %get3A_270] {strides = array<i32>} : memref<32x512xf32, #tpu.memory_space<vmem>>, vector<16xf32>,
        %get3A_272 = arith.index_cast %scan3A_221 : i32 to index
        %get3A_273 = arith.constant 272 : index
        %get3A_274 = tpu.vector_load %arg6[%get3A_272, %get3A_273] {strides = array<i32>} : memref<32x512xf32, #tpu.memory_space<vmem>>, vector<16xf32>,
        %get3A_275 = arith.index_cast %scan3A_221 : i32 to index
        %get3A_276 = arith.constant 288 : index
        %get3A_277 = tpu.vector_load %arg6[%get3A_275, %get3A_276] {strides = array<i32>} : memref<32x512xf32, #tpu.memory_space<vmem>>, vector<16xf32>,
        %get3A_278 = arith.index_cast %scan3A_221 : i32 to index
        %get3A_279 = arith.constant 304 : index
        %get3A_280 = tpu.vector_load %arg6[%get3A_278, %get3A_279] {strides = array<i32>} : memref<32x512xf32, #tpu.memory_space<vmem>>, vector<16xf32>,
        %get3A_281 = arith.index_cast %scan3A_221 : i32 to index
        %get3A_282 = arith.constant 320 : index
        %get3A_283 = tpu.vector_load %arg6[%get3A_281, %get3A_282] {strides = array<i32>} : memref<32x512xf32, #tpu.memory_space<vmem>>, vector<16xf32>,
        %get3A_284 = arith.index_cast %scan3A_221 : i32 to index
        %get3A_285 = arith.constant 336 : index
        %get3A_286 = tpu.vector_load %arg6[%get3A_284, %get3A_285] {strides = array<i32>} : memref<32x512xf32, #tpu.memory_space<vmem>>, vector<16xf32>,
        %get3A_287 = arith.index_cast %scan3A_221 : i32 to index
        %get3A_288 = arith.constant 352 : index
        %get3A_289 = tpu.vector_load %arg6[%get3A_287, %get3A_288] {strides = array<i32>} : memref<32x512xf32, #tpu.memory_space<vmem>>, vector<16xf32>,
        %get3A_290 = arith.index_cast %scan3A_221 : i32 to index
        %get3A_291 = arith.constant 368 : index
        %get3A_292 = tpu.vector_load %arg6[%get3A_290, %get3A_291] {strides = array<i32>} : memref<32x512xf32, #tpu.memory_space<vmem>>, vector<16xf32>,
        %get3A_293 = arith.index_cast %scan3A_221 : i32 to index
        %get3A_294 = arith.constant 384 : index
        %get3A_295 = tpu.vector_load %arg6[%get3A_293, %get3A_294] {strides = array<i32>} : memref<32x512xf32, #tpu.memory_space<vmem>>, vector<16xf32>,
        %get3A_296 = arith.index_cast %scan3A_221 : i32 to index
        %get3A_297 = arith.constant 400 : index
        %get3A_298 = tpu.vector_load %arg6[%get3A_296, %get3A_297] {strides = array<i32>} : memref<32x512xf32, #tpu.memory_space<vmem>>, vector<16xf32>,
        %get3A_299 = arith.index_cast %scan3A_221 : i32 to index
        %get3A_300 = arith.constant 416 : index
        %get3A_301 = tpu.vector_load %arg6[%get3A_299, %get3A_300] {strides = array<i32>} : memref<32x512xf32, #tpu.memory_space<vmem>>, vector<16xf32>,
        %get3A_302 = arith.index_cast %scan3A_221 : i32 to index
        %get3A_303 = arith.constant 432 : index
        %get3A_304 = tpu.vector_load %arg6[%get3A_302, %get3A_303] {strides = array<i32>} : memref<32x512xf32, #tpu.memory_space<vmem>>, vector<16xf32>,
        %get3A_305 = arith.index_cast %scan3A_221 : i32 to index
        %get3A_306 = arith.constant 448 : index
        %get3A_307 = tpu.vector_load %arg6[%get3A_305, %get3A_306] {strides = array<i32>} : memref<32x512xf32, #tpu.memory_space<vmem>>, vector<16xf32>,
        %get3A_308 = arith.index_cast %scan3A_221 : i32 to index
        %get3A_309 = arith.constant 464 : index
        %get3A_310 = tpu.vector_load %arg6[%get3A_308, %get3A_309] {strides = array<i32>} : memref<32x512xf32, #tpu.memory_space<vmem>>, vector<16xf32>,
        %get3A_311 = arith.index_cast %scan3A_221 : i32 to index
        %get3A_312 = arith.constant 480 : index
        %get3A_313 = tpu.vector_load %arg6[%get3A_311, %get3A_312] {strides = array<i32>} : memref<32x512xf32, #tpu.memory_space<vmem>>, vector<16xf32>,
        %get3A_314 = arith.index_cast %scan3A_221 : i32 to index
        %get3A_315 = arith.constant 496 : index
        %get3A_316 = tpu.vector_load %arg6[%get3A_314, %get3A_315] {strides = array<i32>} : memref<32x512xf32, #tpu.memory_space<vmem>>, vector<16xf32>,
        %mul3A_317 = arith.mulf %get3A_223, %broadcast_in_dim3A_26 : vector<16xf32>
        %convert_element_type3A_318 = arith.fptosi %mul3A_317 : vector<16xf32> to vector<16xi32>
        %mul3A_319 = arith.mulf %get3A_226, %broadcast_in_dim3A_26 : vector<16xf32>
        %convert_element_type3A_320 = arith.fptosi %mul3A_319 : vector<16xf32> to vector<16xi32>
        %mul3A_321 = arith.mulf %get3A_229, %broadcast_in_dim3A_26 : vector<16xf32>
        %convert_element_type3A_322 = arith.fptosi %mul3A_321 : vector<16xf32> to vector<16xi32>
        %mul3A_323 = arith.mulf %get3A_232, %broadcast_in_dim3A_26 : vector<16xf32>
        %convert_element_type3A_324 = arith.fptosi %mul3A_323 : vector<16xf32> to vector<16xi32>
        %mul3A_325 = arith.mulf %get3A_235, %broadcast_in_dim3A_26 : vector<16xf32>
        %convert_element_type3A_326 = arith.fptosi %mul3A_325 : vector<16xf32> to vector<16xi32>
        %mul3A_327 = arith.mulf %get3A_238, %broadcast_in_dim3A_26 : vector<16xf32>
        %convert_element_type3A_328 = arith.fptosi %mul3A_327 : vector<16xf32> to vector<16xi32>
        %mul3A_329 = arith.mulf %get3A_241, %broadcast_in_dim3A_26 : vector<16xf32>
        %convert_element_type3A_330 = arith.fptosi %mul3A_329 : vector<16xf32> to vector<16xi32>
        %mul3A_331 = arith.mulf %get3A_244, %broadcast_in_dim3A_26 : vector<16xf32>
        %convert_element_type3A_332 = arith.fptosi %mul3A_331 : vector<16xf32> to vector<16xi32>
        %mul3A_333 = arith.mulf %get3A_247, %broadcast_in_dim3A_26 : vector<16xf32>
        %convert_element_type3A_334 = arith.fptosi %mul3A_333 : vector<16xf32> to vector<16xi32>
        tpu.vector_store_idx %arg7[%convert_element_type3A_318], %broadcast_in_dim3A_24 {add = true} : memref<256xf32, #tpu.memory_space<vmem>>[vector<16xi32>], vector<16xf32>,
        %mul3A_335 = arith.mulf %get3A_250, %broadcast_in_dim3A_26 : vector<16xf32>
        %convert_element_type3A_336 = arith.fptosi %mul3A_335 : vector<16xf32> to vector<16xi32>
        tpu.vector_store_idx %arg7[%convert_element_type3A_320], %broadcast_in_dim3A_24 {add = true} : memref<256xf32, #tpu.memory_space<vmem>>[vector<16xi32>], vector<16xf32>,
        %mul3A_337 = arith.mulf %get3A_253, %broadcast_in_dim3A_26 : vector<16xf32>
        %convert_element_type3A_338 = arith.fptosi %mul3A_337 : vector<16xf32> to vector<16xi32>
        tpu.vector_store_idx %arg7[%convert_element_type3A_322], %broadcast_in_dim3A_24 {add = true} : memref<256xf32, #tpu.memory_space<vmem>>[vector<16xi32>], vector<16xf32>,
        %mul3A_339 = arith.mulf %get3A_256, %broadcast_in_dim3A_26 : vector<16xf32>
        %convert_element_type3A_340 = arith.fptosi %mul3A_339 : vector<16xf32> to vector<16xi32>
        tpu.vector_store_idx %arg7[%convert_element_type3A_324], %broadcast_in_dim3A_24 {add = true} : memref<256xf32, #tpu.memory_space<vmem>>[vector<16xi32>], vector<16xf32>,
        %mul3A_341 = arith.mulf %get3A_259, %broadcast_in_dim3A_26 : vector<16xf32>
        %convert_element_type3A_342 = arith.fptosi %mul3A_341 : vector<16xf32> to vector<16xi32>
        tpu.vector_store_idx %arg7[%convert_element_type3A_326], %broadcast_in_dim3A_24 {add = true} : memref<256xf32, #tpu.memory_space<vmem>>[vector<16xi32>], vector<16xf32>,
        %mul3A_343 = arith.mulf %get3A_262, %broadcast_in_dim3A_26 : vector<16xf32>
        %convert_element_type3A_344 = arith.fptosi %mul3A_343 : vector<16xf32> to vector<16xi32>
        tpu.vector_store_idx %arg7[%convert_element_type3A_328], %broadcast_in_dim3A_24 {add = true} : memref<256xf32, #tpu.memory_space<vmem>>[vector<16xi32>], vector<16xf32>,
        %mul3A_345 = arith.mulf %get3A_265, %broadcast_in_dim3A_26 : vector<16xf32>
        %convert_element_type3A_346 = arith.fptosi %mul3A_345 : vector<16xf32> to vector<16xi32>
        tpu.vector_store_idx %arg7[%convert_element_type3A_330], %broadcast_in_dim3A_24 {add = true} : memref<256xf32, #tpu.memory_space<vmem>>[vector<16xi32>], vector<16xf32>,
        %mul3A_347 = arith.mulf %get3A_268, %broadcast_in_dim3A_26 : vector<16xf32>
        %convert_element_type3A_348 = arith.fptosi %mul3A_347 : vector<16xf32> to vector<16xi32>
        tpu.vector_store_idx %arg7[%convert_element_type3A_332], %broadcast_in_dim3A_24 {add = true} : memref<256xf32, #tpu.memory_space<vmem>>[vector<16xi32>], vector<16xf32>,
        %mul3A_349 = arith.mulf %get3A_271, %broadcast_in_dim3A_26 : vector<16xf32>
        %convert_element_type3A_350 = arith.fptosi %mul3A_349 : vector<16xf32> to vector<16xi32>
        tpu.vector_store_idx %arg7[%convert_element_type3A_334], %broadcast_in_dim3A_24 {add = true} : memref<256xf32, #tpu.memory_space<vmem>>[vector<16xi32>], vector<16xf32>,
        %mul3A_351 = arith.mulf %get3A_274, %broadcast_in_dim3A_26 : vector<16xf32>
        %convert_element_type3A_352 = arith.fptosi %mul3A_351 : vector<16xf32> to vector<16xi32>
        tpu.vector_store_idx %arg7[%convert_element_type3A_336], %broadcast_in_dim3A_24 {add = true} : memref<256xf32, #tpu.memory_space<vmem>>[vector<16xi32>], vector<16xf32>,
        %mul3A_353 = arith.mulf %get3A_277, %broadcast_in_dim3A_26 : vector<16xf32>
        %convert_element_type3A_354 = arith.fptosi %mul3A_353 : vector<16xf32> to vector<16xi32>
        tpu.vector_store_idx %arg7[%convert_element_type3A_338], %broadcast_in_dim3A_24 {add = true} : memref<256xf32, #tpu.memory_space<vmem>>[vector<16xi32>], vector<16xf32>,
        %mul3A_355 = arith.mulf %get3A_280, %broadcast_in_dim3A_26 : vector<16xf32>
        %convert_element_type3A_356 = arith.fptosi %mul3A_355 : vector<16xf32> to vector<16xi32>
        tpu.vector_store_idx %arg7[%convert_element_type3A_340], %broadcast_in_dim3A_24 {add = true} : memref<256xf32, #tpu.memory_space<vmem>>[vector<16xi32>], vector<16xf32>,
        %mul3A_357 = arith.mulf %get3A_283, %broadcast_in_dim3A_26 : vector<16xf32>
        %convert_element_type3A_358 = arith.fptosi %mul3A_357 : vector<16xf32> to vector<16xi32>
        tpu.vector_store_idx %arg7[%convert_element_type3A_342], %broadcast_in_dim3A_24 {add = true} : memref<256xf32, #tpu.memory_space<vmem>>[vector<16xi32>], vector<16xf32>,
        %mul3A_359 = arith.mulf %get3A_286, %broadcast_in_dim3A_26 : vector<16xf32>
        %convert_element_type3A_360 = arith.fptosi %mul3A_359 : vector<16xf32> to vector<16xi32>
        tpu.vector_store_idx %arg7[%convert_element_type3A_344], %broadcast_in_dim3A_24 {add = true} : memref<256xf32, #tpu.memory_space<vmem>>[vector<16xi32>], vector<16xf32>,
        %mul3A_361 = arith.mulf %get3A_289, %broadcast_in_dim3A_26 : vector<16xf32>
        %convert_element_type3A_362 = arith.fptosi %mul3A_361 : vector<16xf32> to vector<16xi32>
        tpu.vector_store_idx %arg7[%convert_element_type3A_346], %broadcast_in_dim3A_24 {add = true} : memref<256xf32, #tpu.memory_space<vmem>>[vector<16xi32>], vector<16xf32>,
        %mul3A_363 = arith.mulf %get3A_292, %broadcast_in_dim3A_26 : vector<16xf32>
        %convert_element_type3A_364 = arith.fptosi %mul3A_363 : vector<16xf32> to vector<16xi32>
        tpu.vector_store_idx %arg7[%convert_element_type3A_348], %broadcast_in_dim3A_24 {add = true} : memref<256xf32, #tpu.memory_space<vmem>>[vector<16xi32>], vector<16xf32>,
        %mul3A_365 = arith.mulf %get3A_295, %broadcast_in_dim3A_26 : vector<16xf32>
        %convert_element_type3A_366 = arith.fptosi %mul3A_365 : vector<16xf32> to vector<16xi32>
        tpu.vector_store_idx %arg7[%convert_element_type3A_350], %broadcast_in_dim3A_24 {add = true} : memref<256xf32, #tpu.memory_space<vmem>>[vector<16xi32>], vector<16xf32>,
        %mul3A_367 = arith.mulf %get3A_298, %broadcast_in_dim3A_26 : vector<16xf32>
        %convert_element_type3A_368 = arith.fptosi %mul3A_367 : vector<16xf32> to vector<16xi32>
        tpu.vector_store_idx %arg7[%convert_element_type3A_352], %broadcast_in_dim3A_24 {add = true} : memref<256xf32, #tpu.memory_space<vmem>>[vector<16xi32>], vector<16xf32>,
        %mul3A_369 = arith.mulf %get3A_301, %broadcast_in_dim3A_26 : vector<16xf32>
        %convert_element_type3A_370 = arith.fptosi %mul3A_369 : vector<16xf32> to vector<16xi32>
        tpu.vector_store_idx %arg7[%convert_element_type3A_354], %broadcast_in_dim3A_24 {add = true} : memref<256xf32, #tpu.memory_space<vmem>>[vector<16xi32>], vector<16xf32>,
        %mul3A_371 = arith.mulf %get3A_304, %broadcast_in_dim3A_26 : vector<16xf32>
        %convert_element_type3A_372 = arith.fptosi %mul3A_371 : vector<16xf32> to vector<16xi32>
        tpu.vector_store_idx %arg7[%convert_element_type3A_356], %broadcast_in_dim3A_24 {add = true} : memref<256xf32, #tpu.memory_space<vmem>>[vector<16xi32>], vector<16xf32>,
        %mul3A_373 = arith.mulf %get3A_307, %broadcast_in_dim3A_26 : vector<16xf32>
        %convert_element_type3A_374 = arith.fptosi %mul3A_373 : vector<16xf32> to vector<16xi32>
        tpu.vector_store_idx %arg7[%convert_element_type3A_358], %broadcast_in_dim3A_24 {add = true} : memref<256xf32, #tpu.memory_space<vmem>>[vector<16xi32>], vector<16xf32>,
        %mul3A_375 = arith.mulf %get3A_310, %broadcast_in_dim3A_26 : vector<16xf32>
        %convert_element_type3A_376 = arith.fptosi %mul3A_375 : vector<16xf32> to vector<16xi32>
        tpu.vector_store_idx %arg7[%convert_element_type3A_360], %broadcast_in_dim3A_24 {add = true} : memref<256xf32, #tpu.memory_space<vmem>>[vector<16xi32>], vector<16xf32>,
        %mul3A_377 = arith.mulf %get3A_313, %broadcast_in_dim3A_26 : vector<16xf32>
        %convert_element_type3A_378 = arith.fptosi %mul3A_377 : vector<16xf32> to vector<16xi32>
        tpu.vector_store_idx %arg7[%convert_element_type3A_362], %broadcast_in_dim3A_24 {add = true} : memref<256xf32, #tpu.memory_space<vmem>>[vector<16xi32>], vector<16xf32>,
        %mul3A_379 = arith.mulf %get3A_316, %broadcast_in_dim3A_26 : vector<16xf32>
        %convert_element_type3A_380 = arith.fptosi %mul3A_379 : vector<16xf32> to vector<16xi32>
        tpu.vector_store_idx %arg7[%convert_element_type3A_364], %broadcast_in_dim3A_24 {add = true} : memref<256xf32, #tpu.memory_space<vmem>>[vector<16xi32>], vector<16xf32>,
        tpu.vector_store_idx %arg7[%convert_element_type3A_366], %broadcast_in_dim3A_24 {add = true} : memref<256xf32, #tpu.memory_space<vmem>>[vector<16xi32>], vector<16xf32>,
        tpu.vector_store_idx %arg7[%convert_element_type3A_368], %broadcast_in_dim3A_24 {add = true} : memref<256xf32, #tpu.memory_space<vmem>>[vector<16xi32>], vector<16xf32>,
        tpu.vector_store_idx %arg7[%convert_element_type3A_370], %broadcast_in_dim3A_24 {add = true} : memref<256xf32, #tpu.memory_space<vmem>>[vector<16xi32>], vector<16xf32>,
        tpu.vector_store_idx %arg7[%convert_element_type3A_372], %broadcast_in_dim3A_24 {add = true} : memref<256xf32, #tpu.memory_space<vmem>>[vector<16xi32>], vector<16xf32>,
        tpu.vector_store_idx %arg7[%convert_element_type3A_374], %broadcast_in_dim3A_24 {add = true} : memref<256xf32, #tpu.memory_space<vmem>>[vector<16xi32>], vector<16xf32>,
        tpu.vector_store_idx %arg7[%convert_element_type3A_376], %broadcast_in_dim3A_24 {add = true} : memref<256xf32, #tpu.memory_space<vmem>>[vector<16xi32>], vector<16xf32>,
        tpu.vector_store_idx %arg7[%convert_element_type3A_378], %broadcast_in_dim3A_24 {add = true} : memref<256xf32, #tpu.memory_space<vmem>>[vector<16xi32>], vector<16xf32>,
        tpu.vector_store_idx %arg7[%convert_element_type3A_380], %broadcast_in_dim3A_24 {add = true} : memref<256xf32, #tpu.memory_space<vmem>>[vector<16xi32>], vector<16xf32>,
      }
      %scan3A_213 = arith.constant 32 : i32
      %add3A_214 = arith.constant 2 : i32
      %add3A_215 = arith.addi %add3A_197, %add3A_214 : i32
      %lt3A_216 = arith.constant 50 : i32
      %lt3A_217 = arith.cmpi slt, %add3A_215, %lt3A_216 : i32
      %convert_element_type3A_218 = arith.extui %lt3A_217 : i1 to i32
      %cond3A_219 = arith.constant 0 : i32
      %cond3A_220 = arith.cmpi ne, %convert_element_type3A_218, %cond3A_219 : i32
      scf.if %cond3A_220 {
        %add3A_221 = arith.constant 2 : i32
        %add3A_222 = arith.addi %add3A_197, %add3A_221 : i32
        %mul3A_223 = arith.constant 50 : i32
        %mul3A_224 = arith.muli %rem3A_20, %mul3A_223 : i32
        %add3A_225 = arith.addi %mul3A_224, %add3A_222 : i32
        %jit3A_226 = arith.constant 16 : i32
        %div3A_227 = arith.divsi %add3A_225, %jit3A_226 : i32
        %sign3A_228 = arith.constant 0 : i32
        %sign3A_229 = arith.cmpi sgt, %add3A_225, %sign3A_228 : i32
        %sign3A_230 = arith.extui %sign3A_229 : i1 to i32
        %sign3A_231 = arith.constant 0 : i32
        %sign3A_232 = arith.cmpi slt, %add3A_225, %sign3A_231 : i32
        %sign3A_233 = arith.extui %sign3A_232 : i1 to i32
        %sign3A_234 = arith.subi %sign3A_230, %sign3A_233 : i32
        %sign3A_235 = arith.constant 0 : i32
        %sign3A_236 = arith.cmpi sgt, %jit3A_226, %sign3A_235 : i32
        %sign3A_237 = arith.extui %sign3A_236 : i1 to i32
        %sign3A_238 = arith.constant 0 : i32
        %sign3A_239 = arith.cmpi slt, %jit3A_226, %sign3A_238 : i32
        %sign3A_240 = arith.extui %sign3A_239 : i1 to i32
        %sign3A_241 = arith.subi %sign3A_237, %sign3A_240 : i32
        %ne3A_242 = arith.cmpi ne, %sign3A_234, %sign3A_241 : i32
        %rem3A_243 = arith.remsi %add3A_225, %jit3A_226 : i32
        %ne3A_244 = arith.constant 0 : i32
        %ne3A_245 = arith.cmpi ne, %rem3A_243, %ne3A_244 : i32
        %and3A_246 = arith.andi %ne3A_242, %ne3A_245 : i1
        %sub3A_247 = arith.constant 1 : i32
        %sub3A_248 = arith.subi %div3A_227, %sub3A_247 : i32
        %select_n3A_249 = arith.select %and3A_246, %sub3A_248, %div3A_227 : i32
        %jit3A_250 = arith.constant 16 : i32
        %eq3A_251 = arith.constant 0 : i32
        %eq3A_252 = arith.cmpi eq, %jit3A_250, %eq3A_251 : i32
        %jit3A_253 = arith.constant 1 : i32
        %select_n3A_254 = arith.select %eq3A_252, %jit3A_253, %jit3A_250 : i32
        %rem3A_255 = arith.remsi %add3A_225, %select_n3A_254 : i32
        %ne3A_256 = arith.constant 0 : i32
        %ne3A_257 = arith.cmpi ne, %rem3A_255, %ne3A_256 : i32
        %lt3A_258 = arith.constant 0 : i32
        %lt3A_259 = arith.cmpi slt, %rem3A_255, %lt3A_258 : i32
        %lt3A_260 = arith.constant 0 : i32
        %lt3A_261 = arith.cmpi slt, %select_n3A_254, %lt3A_260 : i32
        %ne3A_262 = arith.xori %lt3A_259, %lt3A_261 : i1
        %and3A_263 = arith.andi %ne3A_262, %ne3A_257 : i1
        %add3A_264 = arith.addi %rem3A_255, %select_n3A_254 : i32
        %select_n3A_265 = arith.select %and3A_263, %add3A_264, %rem3A_255 : i32
        %mul3A_266 = arith.constant 32 : i32
        %mul3A_267 = arith.muli %select_n3A_265, %mul3A_266 : i32
        %convert_element_type3A_268 = arith.extui %lt3A_21 : i1 to i32
        %cond3A_269 = arith.constant 0 : i32
        %cond3A_270 = arith.cmpi ne, %convert_element_type3A_268, %cond3A_269 : i32
        scf.if %cond3A_270 {
          %dma_start3A = arith.constant 0 : i32
          %dma_start3A_276 = tpu.memref_slice %arg2[%select_n3A_249, %rem3A_18, %mul3A_267, %dma_start3A] : memref<32x3x512x512xf32, #tpu.memory_space<hbm>> -> memref<1x1x32x512xf32, #tpu.memory_space<hbm>>
          %dma_start3A_277 = tpu.memref_squeeze %dma_start3A_276 : memref<1x1x32x512xf32, #tpu.memory_space<hbm>> -> memref<32x512xf32, #tpu.memory_space<hbm>>
          %dma_start3A_278 = arith.constant 0 : i32
          %dma_start3A_279 = tpu.memref_slice %arg2[%select_n3A_249, %rem3A_18, %mul3A_267, %dma_start3A_278] : memref<32x3x512x512xf32, #tpu.memory_space<hbm>> -> memref<1x1x32x512xf32, #tpu.memory_space<hbm>>
          %dma_start3A_280 = tpu.memref_squeeze %dma_start3A_279 : memref<1x1x32x512xf32, #tpu.memory_space<hbm>> -> memref<32x512xf32, #tpu.memory_space<hbm>>
          tpu.enqueue_dma source(%dma_start3A_280 : memref<32x512xf32, #tpu.memory_space<hbm>>) target(%arg6 : memref<32x512xf32, #tpu.memory_space<vmem>>) target_semaphore(%arg9 : memref<!tpu.dma_semaphore, #tpu.memory_space<semaphore_mem>>)
        } else {
        }
        %not3A_271 = arith.constant true
        %not3A_272 = arith.xori %lt3A_21, %not3A_271 : i1
        %convert_element_type3A_273 = arith.extui %not3A_272 : i1 to i32
        %cond3A_274 = arith.constant 0 : i32
        %cond3A_275 = arith.cmpi ne, %convert_element_type3A_273, %cond3A_274 : i32
        scf.if %cond3A_275 {
          %dma_start3A = arith.constant 0 : i32
          %dma_start3A_276 = tpu.memref_slice %arg3[%select_n3A_249, %rem3A_18, %mul3A_267, %dma_start3A] : memref<32x3x512x512xf32, #tpu.memory_space<hbm>> -> memref<1x1x32x512xf32, #tpu.memory_space<hbm>>
          %dma_start3A_277 = tpu.memref_squeeze %dma_start3A_276 : memref<1x1x32x512xf32, #tpu.memory_space<hbm>> -> memref<32x512xf32, #tpu.memory_space<hbm>>
          %dma_start3A_278 = arith.constant 0 : i32
          %dma_start3A_279 = tpu.memref_slice %arg3[%select_n3A_249, %rem3A_18, %mul3A_267, %dma_start3A_278] : memref<32x3x512x512xf32, #tpu.memory_space<hbm>> -> memref<1x1x32x512xf32, #tpu.memory_space<hbm>>
          %dma_start3A_280 = tpu.memref_squeeze %dma_start3A_279 : memref<1x1x32x512xf32, #tpu.memory_space<hbm>> -> memref<32x512xf32, #tpu.memory_space<hbm>>
          tpu.enqueue_dma source(%dma_start3A_280 : memref<32x512xf32, #tpu.memory_space<hbm>>) target(%arg6 : memref<32x512xf32, #tpu.memory_space<vmem>>) target_semaphore(%arg9 : memref<!tpu.dma_semaphore, #tpu.memory_space<semaphore_mem>>)
        } else {
        }
      } else {
      }
    }
    %scan3A_166 = arith.constant 25 : i32
    "tpu.region"() ({
      %run_scoped3A = tpu.sem_alloc : memref<!tpu.dma_semaphore, #tpu.memory_space<semaphore_mem>>
      %dma_start3A = arith.constant 0 : i32
      %dma_start3A_167 = tpu.memref_slice %arg4[%add3A, %dma_start3A] : memref<32x256xf32, #tpu.memory_space<hbm>> -> memref<1x256xf32, #tpu.memory_space<hbm>>
      %dma_start3A_168 = tpu.memref_squeeze %dma_start3A_167 : memref<1x256xf32, #tpu.memory_space<hbm>> -> memref<256xf32, #tpu.memory_space<hbm>>
      %dma_start3A_169 = arith.constant 0 : i32
      %dma_start3A_170 = tpu.memref_slice %arg4[%add3A, %dma_start3A_169] : memref<32x256xf32, #tpu.memory_space<hbm>> -> memref<1x256xf32, #tpu.memory_space<hbm>>
      %dma_start3A_171 = tpu.memref_squeeze %dma_start3A_170 : memref<1x256xf32, #tpu.memory_space<hbm>> -> memref<256xf32, #tpu.memory_space<hbm>>
      tpu.enqueue_dma source(%arg7 : memref<256xf32, #tpu.memory_space<vmem>>) target(%dma_start3A_171 : memref<256xf32, #tpu.memory_space<hbm>>) target_semaphore(%run_scoped3A : memref<!tpu.dma_semaphore, #tpu.memory_space<semaphore_mem>>)
      %dma_wait3A = arith.constant 0 : i32
      %dma_wait3A_172 = tpu.memref_slice %arg4[%add3A, %dma_wait3A] : memref<32x256xf32, #tpu.memory_space<hbm>> -> memref<1x256xf32, #tpu.memory_space<hbm>>
      %dma_wait3A_173 = tpu.memref_squeeze %dma_wait3A_172 : memref<1x256xf32, #tpu.memory_space<hbm>> -> memref<256xf32, #tpu.memory_space<hbm>>
      %dma_wait3A_174 = arith.constant 0 : i32
      %dma_wait3A_175 = tpu.memref_slice %arg4[%add3A, %dma_wait3A_174] : memref<32x256xf32, #tpu.memory_space<hbm>> -> memref<1x256xf32, #tpu.memory_space<hbm>>
      %dma_wait3A_176 = tpu.memref_squeeze %dma_wait3A_175 : memref<1x256xf32, #tpu.memory_space<hbm>> -> memref<256xf32, #tpu.memory_space<hbm>>
      tpu.wait_dma2 semaphore(%run_scoped3A : memref<!tpu.dma_semaphore, #tpu.memory_space<semaphore_mem>>) src(%arg7 : memref<256xf32, #tpu.memory_space<vmem>>) dst(%dma_wait3A_176 : memref<256xf32, #tpu.memory_space<hbm>>)
      tpu.yield
    }) : () -> ()
    return
  }
}

module attributes {stable_mosaic.version = 14 : i64} {
  func.func @_combine_body(%arg0: memref<32x256xf32, #tpu.memory_space<vmem>>, %arg1: memref<2x256xf32, #tpu.memory_space<vmem>>, %arg2: memref<2x256xf32, #tpu.memory_space<vmem>>, %arg3: memref<1x1xf32, #tpu.memory_space<smem>>) attributes {dimension_semantics = [], scalar_prefetch = 0 : i64, scratch_operands = 0 : i64, tpu.core_type = #tpu.core_type<tc>} {
    %get3A = arith.constant 0 : index
    %get3A_0 = arith.constant 0 : index
    %get3A_1 = vector.load %arg0[%get3A, %get3A_0] : memref<32x256xf32, #tpu.memory_space<vmem>>, vector<32x256xf32>
    %slice3A = vector.extract_strided_slice %get3A_1 {offsets = [0, 0], sizes = [8, 256], strides = [1, 1]} : vector<32x256xf32> to vector<8x256xf32>
    %reduce_sum3A = arith.constant dense<0.000000e+00> : vector<256xf32>
    %reduce_sum3A_2 = vector.multi_reduction <add>, %slice3A, %reduce_sum3A [0] : vector<8x256xf32> to vector<256xf32>
    %get3A_3 = arith.constant 0 : index
    %get3A_4 = arith.constant 0 : index
    %get3A_5 = vector.load %arg1[%get3A_3, %get3A_4] : memref<2x256xf32, #tpu.memory_space<vmem>>, vector<1x256xf32>
    %get3A_6 = vector.shape_cast %get3A_5 : vector<1x256xf32> to vector<256xf32>
    %add3A = arith.addf %reduce_sum3A_2, %get3A_6 : vector<256xf32>
    %slice3A_7 = vector.extract_strided_slice %get3A_1 {offsets = [8, 0], sizes = [8, 256], strides = [1, 1]} : vector<32x256xf32> to vector<8x256xf32>
    %reduce_sum3A_8 = arith.constant dense<0.000000e+00> : vector<256xf32>
    %reduce_sum3A_9 = vector.multi_reduction <add>, %slice3A_7, %reduce_sum3A_8 [0] : vector<8x256xf32> to vector<256xf32>
    %get3A_10 = arith.constant 1 : index
    %get3A_11 = arith.constant 0 : index
    %get3A_12 = vector.load %arg1[%get3A_10, %get3A_11] : memref<2x256xf32, #tpu.memory_space<vmem>>, vector<1x256xf32>
    %get3A_13 = vector.shape_cast %get3A_12 : vector<1x256xf32> to vector<256xf32>
    %add3A_14 = arith.addf %reduce_sum3A_9, %get3A_13 : vector<256xf32>
    %slice3A_15 = vector.extract_strided_slice %get3A_1 {offsets = [16, 0], sizes = [8, 256], strides = [1, 1]} : vector<32x256xf32> to vector<8x256xf32>
    %reduce_sum3A_16 = arith.constant dense<0.000000e+00> : vector<256xf32>
    %reduce_sum3A_17 = vector.multi_reduction <add>, %slice3A_15, %reduce_sum3A_16 [0] : vector<8x256xf32> to vector<256xf32>
    %get3A_18 = arith.constant 0 : index
    %get3A_19 = arith.constant 0 : index
    %get3A_20 = vector.load %arg2[%get3A_18, %get3A_19] : memref<2x256xf32, #tpu.memory_space<vmem>>, vector<1x256xf32>
    %get3A_21 = vector.shape_cast %get3A_20 : vector<1x256xf32> to vector<256xf32>
    %add3A_22 = arith.addf %reduce_sum3A_17, %get3A_21 : vector<256xf32>
    %slice3A_23 = vector.extract_strided_slice %get3A_1 {offsets = [24, 0], sizes = [8, 256], strides = [1, 1]} : vector<32x256xf32> to vector<8x256xf32>
    %reduce_sum3A_24 = arith.constant dense<0.000000e+00> : vector<256xf32>
    %reduce_sum3A_25 = vector.multi_reduction <add>, %slice3A_23, %reduce_sum3A_24 [0] : vector<8x256xf32> to vector<256xf32>
    %get3A_26 = arith.constant 1 : index
    %get3A_27 = arith.constant 0 : index
    %get3A_28 = vector.load %arg2[%get3A_26, %get3A_27] : memref<2x256xf32, #tpu.memory_space<vmem>>, vector<1x256xf32>
    %get3A_29 = vector.shape_cast %get3A_28 : vector<1x256xf32> to vector<256xf32>
    %add3A_30 = arith.addf %reduce_sum3A_25, %get3A_29 : vector<256xf32>
    %reduce_sum3A_31 = vector.shape_cast %add3A : vector<256xf32> to vector<1x256xf32>
    %reduce_sum3A_32 = arith.constant dense<0.000000e+00> : vector<1xf32>
    %reduce_sum3A_33 = vector.multi_reduction <add>, %reduce_sum3A_31, %reduce_sum3A_32 [1] : vector<1x256xf32> to vector<1xf32>
    %reduce_sum3A_34 = vector.shape_cast %reduce_sum3A_33 : vector<1xf32> to vector<1x1xf32>
    %reduce_sum3A_35 = vector.extract %reduce_sum3A_34[0, 0] : f32 from vector<1x1xf32>
    %div3A = vector.broadcast %reduce_sum3A_35 : f32 to vector<256xf32>
    %div3A_36 = arith.divf %add3A, %div3A : vector<256xf32>
    %reduce_sum3A_37 = vector.shape_cast %add3A_14 : vector<256xf32> to vector<1x256xf32>
    %reduce_sum3A_38 = arith.constant dense<0.000000e+00> : vector<1xf32>
    %reduce_sum3A_39 = vector.multi_reduction <add>, %reduce_sum3A_37, %reduce_sum3A_38 [1] : vector<1x256xf32> to vector<1xf32>
    %reduce_sum3A_40 = vector.shape_cast %reduce_sum3A_39 : vector<1xf32> to vector<1x1xf32>
    %reduce_sum3A_41 = vector.extract %reduce_sum3A_40[0, 0] : f32 from vector<1x1xf32>
    %div3A_42 = vector.broadcast %reduce_sum3A_41 : f32 to vector<256xf32>
    %div3A_43 = arith.divf %add3A_14, %div3A_42 : vector<256xf32>
    %reduce_sum3A_44 = vector.shape_cast %add3A_22 : vector<256xf32> to vector<1x256xf32>
    %reduce_sum3A_45 = arith.constant dense<0.000000e+00> : vector<1xf32>
    %reduce_sum3A_46 = vector.multi_reduction <add>, %reduce_sum3A_44, %reduce_sum3A_45 [1] : vector<1x256xf32> to vector<1xf32>
    %reduce_sum3A_47 = vector.shape_cast %reduce_sum3A_46 : vector<1xf32> to vector<1x1xf32>
    %reduce_sum3A_48 = vector.extract %reduce_sum3A_47[0, 0] : f32 from vector<1x1xf32>
    %div3A_49 = vector.broadcast %reduce_sum3A_48 : f32 to vector<256xf32>
    %div3A_50 = arith.divf %add3A_22, %div3A_49 : vector<256xf32>
    %reduce_sum3A_51 = vector.shape_cast %add3A_30 : vector<256xf32> to vector<1x256xf32>
    %reduce_sum3A_52 = arith.constant dense<0.000000e+00> : vector<1xf32>
    %reduce_sum3A_53 = vector.multi_reduction <add>, %reduce_sum3A_51, %reduce_sum3A_52 [1] : vector<1x256xf32> to vector<1xf32>
    %reduce_sum3A_54 = vector.shape_cast %reduce_sum3A_53 : vector<1xf32> to vector<1x1xf32>
    %reduce_sum3A_55 = vector.extract %reduce_sum3A_54[0, 0] : f32 from vector<1x1xf32>
    %div3A_56 = vector.broadcast %reduce_sum3A_55 : f32 to vector<256xf32>
    %div3A_57 = arith.divf %add3A_30, %div3A_56 : vector<256xf32>
    %sub3A = arith.subf %div3A_36, %div3A_50 : vector<256xf32>
    %integer_pow3A = arith.mulf %sub3A, %sub3A : vector<256xf32>
    %reduce_sum3A_58 = vector.shape_cast %integer_pow3A : vector<256xf32> to vector<1x256xf32>
    %reduce_sum3A_59 = arith.constant dense<0.000000e+00> : vector<1xf32>
    %reduce_sum3A_60 = vector.multi_reduction <add>, %reduce_sum3A_58, %reduce_sum3A_59 [1] : vector<1x256xf32> to vector<1xf32>
    %reduce_sum3A_61 = vector.shape_cast %reduce_sum3A_60 : vector<1xf32> to vector<1x1xf32>
    %reduce_sum3A_62 = vector.extract %reduce_sum3A_61[0, 0] : f32 from vector<1x1xf32>
    %div3A_63 = arith.constant 2.560000e+02 : f32
    %div3A_64 = arith.divf %reduce_sum3A_62, %div3A_63 : f32
    %sub3A_65 = arith.subf %div3A_43, %div3A_57 : vector<256xf32>
    %integer_pow3A_66 = arith.mulf %sub3A_65, %sub3A_65 : vector<256xf32>
    %reduce_sum3A_67 = vector.shape_cast %integer_pow3A_66 : vector<256xf32> to vector<1x256xf32>
    %reduce_sum3A_68 = arith.constant dense<0.000000e+00> : vector<1xf32>
    %reduce_sum3A_69 = vector.multi_reduction <add>, %reduce_sum3A_67, %reduce_sum3A_68 [1] : vector<1x256xf32> to vector<1xf32>
    %reduce_sum3A_70 = vector.shape_cast %reduce_sum3A_69 : vector<1xf32> to vector<1x1xf32>
    %reduce_sum3A_71 = vector.extract %reduce_sum3A_70[0, 0] : f32 from vector<1x1xf32>
    %div3A_72 = arith.constant 2.560000e+02 : f32
    %div3A_73 = arith.divf %reduce_sum3A_71, %div3A_72 : f32
    %add3A_74 = arith.addf %div3A_64, %div3A_73 : f32
    %div3A_75 = arith.constant 3.000000e+00 : f32
    %div3A_76 = arith.divf %add3A_74, %div3A_75 : f32
    %swap3A = arith.constant 0 : index
    %swap3A_77 = arith.constant 0 : index
    %swap3A_78 = memref.load %arg3[%swap3A, %swap3A_77] : memref<1x1xf32, #tpu.memory_space<smem>>
    memref.store %div3A_76, %arg3[%swap3A, %swap3A_77] : memref<1x1xf32, #tpu.memory_space<smem>>
    return
  }
}

module attributes {stable_mosaic.version = 14 : i64} {
  func.func @_tc_hist_body(%arg0: i32, %arg1: i32, %arg2: memref<1x1x512x512xf32, #tpu.memory_space<vmem>>, %arg3: memref<1x16x16xf32, #tpu.memory_space<vmem>>) attributes {dimension_semantics = [#tpu.dimension_semantics<arbitrary>, #tpu.dimension_semantics<arbitrary>], iteration_bounds = array<i64: 2, 7>, scalar_prefetch = 0 : i64, scratch_operands = 0 : i64, tpu.core_type = #tpu.core_type<tc>, window_params = [{transform_indices = @transform_0, window_bounds = array<i64: 1, 1, 512, 512>}, {transform_indices = @transform_1, window_bounds = array<i64: 1, 16, 16>}]} {
    %get3A = arith.constant 0 : index
    %get3A_0 = arith.constant 0 : index
    %get3A_1 = arith.constant 0 : index
    %get3A_2 = arith.constant 0 : index
    %get3A_3 = vector.load %arg2[%get3A, %get3A_0, %get3A_1, %get3A_2] : memref<1x1x512x512xf32, #tpu.memory_space<vmem>>, vector<1x1x512x512xf32>
    %get3A_4 = vector.shape_cast %get3A_3 : vector<1x1x512x512xf32> to vector<512x512xf32>
    %iota3A = tpu.iota {dimensions = array<i32: 1>} : vector<1x16x1xi32>
    %broadcast_in_dim3A = arith.constant 0.000000e+00 : f32
    %broadcast_in_dim3A_5 = vector.broadcast %broadcast_in_dim3A : f32 to vector<16x16xf32>
    %slice3A = vector.extract_strided_slice %get3A_4 {offsets = [0, 0], sizes = [32, 512], strides = [1, 1]} : vector<512x512xf32> to vector<32x512xf32>
    %mul3A = arith.constant 2.560000e+02 : f32
    %mul3A_6 = vector.broadcast %mul3A : f32 to vector<32x512xf32>
    %mul3A_7 = arith.mulf %slice3A, %mul3A_6 : vector<32x512xf32>
    %convert_element_type3A = arith.fptosi %mul3A_7 : vector<32x512xf32> to vector<32x512xi32>
    %broadcast_in_dim3A_8 = vector.shape_cast %convert_element_type3A : vector<32x512xi32> to vector<32x1x512xi32>
    %shift_right_logical3A = arith.constant 4 : i32
    %shift_right_logical3A_9 = vector.broadcast %shift_right_logical3A : i32 to vector<32x1x512xi32>
    %shift_right_logical3A_10 = arith.shrui %broadcast_in_dim3A_8, %shift_right_logical3A_9 : vector<32x1x512xi32>
    %eq3A = vector.broadcast %shift_right_logical3A_10 : vector<32x1x512xi32> to vector<32x16x512xi32>
    %eq3A_11 = vector.broadcast %iota3A : vector<1x16x1xi32> to vector<32x16x512xi32>
    %eq3A_12 = arith.cmpi eq, %eq3A, %eq3A_11 : vector<32x16x512xi32>
    %convert_element_type3A_13 = arith.extui %eq3A_12 : vector<32x16x512xi1> to vector<32x16x512xi32>
    %convert_element_type3A_14 = arith.sitofp %convert_element_type3A_13 : vector<32x16x512xi32> to vector<32x16x512xf32>
    %and3A = arith.constant 15 : i32
    %and3A_15 = vector.broadcast %and3A : i32 to vector<32x1x512xi32>
    %and3A_16 = arith.andi %broadcast_in_dim3A_8, %and3A_15 : vector<32x1x512xi32>
    %eq3A_17 = vector.broadcast %and3A_16 : vector<32x1x512xi32> to vector<32x16x512xi32>
    %eq3A_18 = vector.broadcast %iota3A : vector<1x16x1xi32> to vector<32x16x512xi32>
    %eq3A_19 = arith.cmpi eq, %eq3A_17, %eq3A_18 : vector<32x16x512xi32>
    %convert_element_type3A_20 = arith.extui %eq3A_19 : vector<32x16x512xi1> to vector<32x16x512xi32>
    %convert_element_type3A_21 = arith.sitofp %convert_element_type3A_20 : vector<32x16x512xi32> to vector<32x16x512xf32>
    %dot_general3A = arith.constant dense<0.000000e+00> : vector<32x16x16xf32>
    %dot_general3A_22 = tpu.matmul %convert_element_type3A_14, %convert_element_type3A_21, %dot_general3A {dimension_numbers = #tpu.dot_dimension_numbers<[2], [2], [1], [1], [0, 0, 0, 1, 1, 1], [0], [0]>, transpose_lhs_hint = false} : vector<32x16x512xf32>, vector<32x16x512xf32>, vector<32x16x16xf32> -> vector<32x16x16xf32>
    %reduce_sum3A = arith.constant dense<0.000000e+00> : vector<16x16xf32>
    %reduce_sum3A_23 = vector.multi_reduction <add>, %dot_general3A_22, %reduce_sum3A [0] : vector<32x16x16xf32> to vector<16x16xf32>
    %add3A = arith.addf %broadcast_in_dim3A_5, %reduce_sum3A_23 : vector<16x16xf32>
    %slice3A_24 = vector.extract_strided_slice %get3A_4 {offsets = [32, 0], sizes = [32, 512], strides = [1, 1]} : vector<512x512xf32> to vector<32x512xf32>
    %mul3A_25 = arith.constant 2.560000e+02 : f32
    %mul3A_26 = vector.broadcast %mul3A_25 : f32 to vector<32x512xf32>
    %mul3A_27 = arith.mulf %slice3A_24, %mul3A_26 : vector<32x512xf32>
    %convert_element_type3A_28 = arith.fptosi %mul3A_27 : vector<32x512xf32> to vector<32x512xi32>
    %broadcast_in_dim3A_29 = vector.shape_cast %convert_element_type3A_28 : vector<32x512xi32> to vector<32x1x512xi32>
    %shift_right_logical3A_30 = arith.constant 4 : i32
    %shift_right_logical3A_31 = vector.broadcast %shift_right_logical3A_30 : i32 to vector<32x1x512xi32>
    %shift_right_logical3A_32 = arith.shrui %broadcast_in_dim3A_29, %shift_right_logical3A_31 : vector<32x1x512xi32>
    %eq3A_33 = vector.broadcast %shift_right_logical3A_32 : vector<32x1x512xi32> to vector<32x16x512xi32>
    %eq3A_34 = vector.broadcast %iota3A : vector<1x16x1xi32> to vector<32x16x512xi32>
    %eq3A_35 = arith.cmpi eq, %eq3A_33, %eq3A_34 : vector<32x16x512xi32>
    %convert_element_type3A_36 = arith.extui %eq3A_35 : vector<32x16x512xi1> to vector<32x16x512xi32>
    %convert_element_type3A_37 = arith.sitofp %convert_element_type3A_36 : vector<32x16x512xi32> to vector<32x16x512xf32>
    %and3A_38 = arith.constant 15 : i32
    %and3A_39 = vector.broadcast %and3A_38 : i32 to vector<32x1x512xi32>
    %and3A_40 = arith.andi %broadcast_in_dim3A_29, %and3A_39 : vector<32x1x512xi32>
    %eq3A_41 = vector.broadcast %and3A_40 : vector<32x1x512xi32> to vector<32x16x512xi32>
    %eq3A_42 = vector.broadcast %iota3A : vector<1x16x1xi32> to vector<32x16x512xi32>
    %eq3A_43 = arith.cmpi eq, %eq3A_41, %eq3A_42 : vector<32x16x512xi32>
    %convert_element_type3A_44 = arith.extui %eq3A_43 : vector<32x16x512xi1> to vector<32x16x512xi32>
    %convert_element_type3A_45 = arith.sitofp %convert_element_type3A_44 : vector<32x16x512xi32> to vector<32x16x512xf32>
    %dot_general3A_46 = arith.constant dense<0.000000e+00> : vector<32x16x16xf32>
    %dot_general3A_47 = tpu.matmul %convert_element_type3A_37, %convert_element_type3A_45, %dot_general3A_46 {dimension_numbers = #tpu.dot_dimension_numbers<[2], [2], [1], [1], [0, 0, 0, 1, 1, 1], [0], [0]>, transpose_lhs_hint = false} : vector<32x16x512xf32>, vector<32x16x512xf32>, vector<32x16x16xf32> -> vector<32x16x16xf32>
    %reduce_sum3A_48 = arith.constant dense<0.000000e+00> : vector<16x16xf32>
    %reduce_sum3A_49 = vector.multi_reduction <add>, %dot_general3A_47, %reduce_sum3A_48 [0] : vector<32x16x16xf32> to vector<16x16xf32>
    %add3A_50 = arith.addf %add3A, %reduce_sum3A_49 : vector<16x16xf32>
    %slice3A_51 = vector.extract_strided_slice %get3A_4 {offsets = [64, 0], sizes = [32, 512], strides = [1, 1]} : vector<512x512xf32> to vector<32x512xf32>
    %mul3A_52 = arith.constant 2.560000e+02 : f32
    %mul3A_53 = vector.broadcast %mul3A_52 : f32 to vector<32x512xf32>
    %mul3A_54 = arith.mulf %slice3A_51, %mul3A_53 : vector<32x512xf32>
    %convert_element_type3A_55 = arith.fptosi %mul3A_54 : vector<32x512xf32> to vector<32x512xi32>
    %broadcast_in_dim3A_56 = vector.shape_cast %convert_element_type3A_55 : vector<32x512xi32> to vector<32x1x512xi32>
    %shift_right_logical3A_57 = arith.constant 4 : i32
    %shift_right_logical3A_58 = vector.broadcast %shift_right_logical3A_57 : i32 to vector<32x1x512xi32>
    %shift_right_logical3A_59 = arith.shrui %broadcast_in_dim3A_56, %shift_right_logical3A_58 : vector<32x1x512xi32>
    %eq3A_60 = vector.broadcast %shift_right_logical3A_59 : vector<32x1x512xi32> to vector<32x16x512xi32>
    %eq3A_61 = vector.broadcast %iota3A : vector<1x16x1xi32> to vector<32x16x512xi32>
    %eq3A_62 = arith.cmpi eq, %eq3A_60, %eq3A_61 : vector<32x16x512xi32>
    %convert_element_type3A_63 = arith.extui %eq3A_62 : vector<32x16x512xi1> to vector<32x16x512xi32>
    %convert_element_type3A_64 = arith.sitofp %convert_element_type3A_63 : vector<32x16x512xi32> to vector<32x16x512xf32>
    %and3A_65 = arith.constant 15 : i32
    %and3A_66 = vector.broadcast %and3A_65 : i32 to vector<32x1x512xi32>
    %and3A_67 = arith.andi %broadcast_in_dim3A_56, %and3A_66 : vector<32x1x512xi32>
    %eq3A_68 = vector.broadcast %and3A_67 : vector<32x1x512xi32> to vector<32x16x512xi32>
    %eq3A_69 = vector.broadcast %iota3A : vector<1x16x1xi32> to vector<32x16x512xi32>
    %eq3A_70 = arith.cmpi eq, %eq3A_68, %eq3A_69 : vector<32x16x512xi32>
    %convert_element_type3A_71 = arith.extui %eq3A_70 : vector<32x16x512xi1> to vector<32x16x512xi32>
    %convert_element_type3A_72 = arith.sitofp %convert_element_type3A_71 : vector<32x16x512xi32> to vector<32x16x512xf32>
    %dot_general3A_73 = arith.constant dense<0.000000e+00> : vector<32x16x16xf32>
    %dot_general3A_74 = tpu.matmul %convert_element_type3A_64, %convert_element_type3A_72, %dot_general3A_73 {dimension_numbers = #tpu.dot_dimension_numbers<[2], [2], [1], [1], [0, 0, 0, 1, 1, 1], [0], [0]>, transpose_lhs_hint = false} : vector<32x16x512xf32>, vector<32x16x512xf32>, vector<32x16x16xf32> -> vector<32x16x16xf32>
    %reduce_sum3A_75 = arith.constant dense<0.000000e+00> : vector<16x16xf32>
    %reduce_sum3A_76 = vector.multi_reduction <add>, %dot_general3A_74, %reduce_sum3A_75 [0] : vector<32x16x16xf32> to vector<16x16xf32>
    %add3A_77 = arith.addf %add3A_50, %reduce_sum3A_76 : vector<16x16xf32>
    %slice3A_78 = vector.extract_strided_slice %get3A_4 {offsets = [96, 0], sizes = [32, 512], strides = [1, 1]} : vector<512x512xf32> to vector<32x512xf32>
    %mul3A_79 = arith.constant 2.560000e+02 : f32
    %mul3A_80 = vector.broadcast %mul3A_79 : f32 to vector<32x512xf32>
    %mul3A_81 = arith.mulf %slice3A_78, %mul3A_80 : vector<32x512xf32>
    %convert_element_type3A_82 = arith.fptosi %mul3A_81 : vector<32x512xf32> to vector<32x512xi32>
    %broadcast_in_dim3A_83 = vector.shape_cast %convert_element_type3A_82 : vector<32x512xi32> to vector<32x1x512xi32>
    %shift_right_logical3A_84 = arith.constant 4 : i32
    %shift_right_logical3A_85 = vector.broadcast %shift_right_logical3A_84 : i32 to vector<32x1x512xi32>
    %shift_right_logical3A_86 = arith.shrui %broadcast_in_dim3A_83, %shift_right_logical3A_85 : vector<32x1x512xi32>
    %eq3A_87 = vector.broadcast %shift_right_logical3A_86 : vector<32x1x512xi32> to vector<32x16x512xi32>
    %eq3A_88 = vector.broadcast %iota3A : vector<1x16x1xi32> to vector<32x16x512xi32>
    %eq3A_89 = arith.cmpi eq, %eq3A_87, %eq3A_88 : vector<32x16x512xi32>
    %convert_element_type3A_90 = arith.extui %eq3A_89 : vector<32x16x512xi1> to vector<32x16x512xi32>
    %convert_element_type3A_91 = arith.sitofp %convert_element_type3A_90 : vector<32x16x512xi32> to vector<32x16x512xf32>
    %and3A_92 = arith.constant 15 : i32
    %and3A_93 = vector.broadcast %and3A_92 : i32 to vector<32x1x512xi32>
    %and3A_94 = arith.andi %broadcast_in_dim3A_83, %and3A_93 : vector<32x1x512xi32>
    %eq3A_95 = vector.broadcast %and3A_94 : vector<32x1x512xi32> to vector<32x16x512xi32>
    %eq3A_96 = vector.broadcast %iota3A : vector<1x16x1xi32> to vector<32x16x512xi32>
    %eq3A_97 = arith.cmpi eq, %eq3A_95, %eq3A_96 : vector<32x16x512xi32>
    %convert_element_type3A_98 = arith.extui %eq3A_97 : vector<32x16x512xi1> to vector<32x16x512xi32>
    %convert_element_type3A_99 = arith.sitofp %convert_element_type3A_98 : vector<32x16x512xi32> to vector<32x16x512xf32>
    %dot_general3A_100 = arith.constant dense<0.000000e+00> : vector<32x16x16xf32>
    %dot_general3A_101 = tpu.matmul %convert_element_type3A_91, %convert_element_type3A_99, %dot_general3A_100 {dimension_numbers = #tpu.dot_dimension_numbers<[2], [2], [1], [1], [0, 0, 0, 1, 1, 1], [0], [0]>, transpose_lhs_hint = false} : vector<32x16x512xf32>, vector<32x16x512xf32>, vector<32x16x16xf32> -> vector<32x16x16xf32>
    %reduce_sum3A_102 = arith.constant dense<0.000000e+00> : vector<16x16xf32>
    %reduce_sum3A_103 = vector.multi_reduction <add>, %dot_general3A_101, %reduce_sum3A_102 [0] : vector<32x16x16xf32> to vector<16x16xf32>
    %add3A_104 = arith.addf %add3A_77, %reduce_sum3A_103 : vector<16x16xf32>
    %slice3A_105 = vector.extract_strided_slice %get3A_4 {offsets = [128, 0], sizes = [32, 512], strides = [1, 1]} : vector<512x512xf32> to vector<32x512xf32>
    %mul3A_106 = arith.constant 2.560000e+02 : f32
    %mul3A_107 = vector.broadcast %mul3A_106 : f32 to vector<32x512xf32>
    %mul3A_108 = arith.mulf %slice3A_105, %mul3A_107 : vector<32x512xf32>
    %convert_element_type3A_109 = arith.fptosi %mul3A_108 : vector<32x512xf32> to vector<32x512xi32>
    %broadcast_in_dim3A_110 = vector.shape_cast %convert_element_type3A_109 : vector<32x512xi32> to vector<32x1x512xi32>
    %shift_right_logical3A_111 = arith.constant 4 : i32
    %shift_right_logical3A_112 = vector.broadcast %shift_right_logical3A_111 : i32 to vector<32x1x512xi32>
    %shift_right_logical3A_113 = arith.shrui %broadcast_in_dim3A_110, %shift_right_logical3A_112 : vector<32x1x512xi32>
    %eq3A_114 = vector.broadcast %shift_right_logical3A_113 : vector<32x1x512xi32> to vector<32x16x512xi32>
    %eq3A_115 = vector.broadcast %iota3A : vector<1x16x1xi32> to vector<32x16x512xi32>
    %eq3A_116 = arith.cmpi eq, %eq3A_114, %eq3A_115 : vector<32x16x512xi32>
    %convert_element_type3A_117 = arith.extui %eq3A_116 : vector<32x16x512xi1> to vector<32x16x512xi32>
    %convert_element_type3A_118 = arith.sitofp %convert_element_type3A_117 : vector<32x16x512xi32> to vector<32x16x512xf32>
    %and3A_119 = arith.constant 15 : i32
    %and3A_120 = vector.broadcast %and3A_119 : i32 to vector<32x1x512xi32>
    %and3A_121 = arith.andi %broadcast_in_dim3A_110, %and3A_120 : vector<32x1x512xi32>
    %eq3A_122 = vector.broadcast %and3A_121 : vector<32x1x512xi32> to vector<32x16x512xi32>
    %eq3A_123 = vector.broadcast %iota3A : vector<1x16x1xi32> to vector<32x16x512xi32>
    %eq3A_124 = arith.cmpi eq, %eq3A_122, %eq3A_123 : vector<32x16x512xi32>
    %convert_element_type3A_125 = arith.extui %eq3A_124 : vector<32x16x512xi1> to vector<32x16x512xi32>
    %convert_element_type3A_126 = arith.sitofp %convert_element_type3A_125 : vector<32x16x512xi32> to vector<32x16x512xf32>
    %dot_general3A_127 = arith.constant dense<0.000000e+00> : vector<32x16x16xf32>
    %dot_general3A_128 = tpu.matmul %convert_element_type3A_118, %convert_element_type3A_126, %dot_general3A_127 {dimension_numbers = #tpu.dot_dimension_numbers<[2], [2], [1], [1], [0, 0, 0, 1, 1, 1], [0], [0]>, transpose_lhs_hint = false} : vector<32x16x512xf32>, vector<32x16x512xf32>, vector<32x16x16xf32> -> vector<32x16x16xf32>
    %reduce_sum3A_129 = arith.constant dense<0.000000e+00> : vector<16x16xf32>
    %reduce_sum3A_130 = vector.multi_reduction <add>, %dot_general3A_128, %reduce_sum3A_129 [0] : vector<32x16x16xf32> to vector<16x16xf32>
    %add3A_131 = arith.addf %add3A_104, %reduce_sum3A_130 : vector<16x16xf32>
    %slice3A_132 = vector.extract_strided_slice %get3A_4 {offsets = [160, 0], sizes = [32, 512], strides = [1, 1]} : vector<512x512xf32> to vector<32x512xf32>
    %mul3A_133 = arith.constant 2.560000e+02 : f32
    %mul3A_134 = vector.broadcast %mul3A_133 : f32 to vector<32x512xf32>
    %mul3A_135 = arith.mulf %slice3A_132, %mul3A_134 : vector<32x512xf32>
    %convert_element_type3A_136 = arith.fptosi %mul3A_135 : vector<32x512xf32> to vector<32x512xi32>
    %broadcast_in_dim3A_137 = vector.shape_cast %convert_element_type3A_136 : vector<32x512xi32> to vector<32x1x512xi32>
    %shift_right_logical3A_138 = arith.constant 4 : i32
    %shift_right_logical3A_139 = vector.broadcast %shift_right_logical3A_138 : i32 to vector<32x1x512xi32>
    %shift_right_logical3A_140 = arith.shrui %broadcast_in_dim3A_137, %shift_right_logical3A_139 : vector<32x1x512xi32>
    %eq3A_141 = vector.broadcast %shift_right_logical3A_140 : vector<32x1x512xi32> to vector<32x16x512xi32>
    %eq3A_142 = vector.broadcast %iota3A : vector<1x16x1xi32> to vector<32x16x512xi32>
    %eq3A_143 = arith.cmpi eq, %eq3A_141, %eq3A_142 : vector<32x16x512xi32>
    %convert_element_type3A_144 = arith.extui %eq3A_143 : vector<32x16x512xi1> to vector<32x16x512xi32>
    %convert_element_type3A_145 = arith.sitofp %convert_element_type3A_144 : vector<32x16x512xi32> to vector<32x16x512xf32>
    %and3A_146 = arith.constant 15 : i32
    %and3A_147 = vector.broadcast %and3A_146 : i32 to vector<32x1x512xi32>
    %and3A_148 = arith.andi %broadcast_in_dim3A_137, %and3A_147 : vector<32x1x512xi32>
    %eq3A_149 = vector.broadcast %and3A_148 : vector<32x1x512xi32> to vector<32x16x512xi32>
    %eq3A_150 = vector.broadcast %iota3A : vector<1x16x1xi32> to vector<32x16x512xi32>
    %eq3A_151 = arith.cmpi eq, %eq3A_149, %eq3A_150 : vector<32x16x512xi32>
    %convert_element_type3A_152 = arith.extui %eq3A_151 : vector<32x16x512xi1> to vector<32x16x512xi32>
    %convert_element_type3A_153 = arith.sitofp %convert_element_type3A_152 : vector<32x16x512xi32> to vector<32x16x512xf32>
    %dot_general3A_154 = arith.constant dense<0.000000e+00> : vector<32x16x16xf32>
    %dot_general3A_155 = tpu.matmul %convert_element_type3A_145, %convert_element_type3A_153, %dot_general3A_154 {dimension_numbers = #tpu.dot_dimension_numbers<[2], [2], [1], [1], [0, 0, 0, 1, 1, 1], [0], [0]>, transpose_lhs_hint = false} : vector<32x16x512xf32>, vector<32x16x512xf32>, vector<32x16x16xf32> -> vector<32x16x16xf32>
    %reduce_sum3A_156 = arith.constant dense<0.000000e+00> : vector<16x16xf32>
    %reduce_sum3A_157 = vector.multi_reduction <add>, %dot_general3A_155, %reduce_sum3A_156 [0] : vector<32x16x16xf32> to vector<16x16xf32>
    %add3A_158 = arith.addf %add3A_131, %reduce_sum3A_157 : vector<16x16xf32>
    %slice3A_159 = vector.extract_strided_slice %get3A_4 {offsets = [192, 0], sizes = [32, 512], strides = [1, 1]} : vector<512x512xf32> to vector<32x512xf32>
    %mul3A_160 = arith.constant 2.560000e+02 : f32
    %mul3A_161 = vector.broadcast %mul3A_160 : f32 to vector<32x512xf32>
    %mul3A_162 = arith.mulf %slice3A_159, %mul3A_161 : vector<32x512xf32>
    %convert_element_type3A_163 = arith.fptosi %mul3A_162 : vector<32x512xf32> to vector<32x512xi32>
    %broadcast_in_dim3A_164 = vector.shape_cast %convert_element_type3A_163 : vector<32x512xi32> to vector<32x1x512xi32>
    %shift_right_logical3A_165 = arith.constant 4 : i32
    %shift_right_logical3A_166 = vector.broadcast %shift_right_logical3A_165 : i32 to vector<32x1x512xi32>
    %shift_right_logical3A_167 = arith.shrui %broadcast_in_dim3A_164, %shift_right_logical3A_166 : vector<32x1x512xi32>
    %eq3A_168 = vector.broadcast %shift_right_logical3A_167 : vector<32x1x512xi32> to vector<32x16x512xi32>
    %eq3A_169 = vector.broadcast %iota3A : vector<1x16x1xi32> to vector<32x16x512xi32>
    %eq3A_170 = arith.cmpi eq, %eq3A_168, %eq3A_169 : vector<32x16x512xi32>
    %convert_element_type3A_171 = arith.extui %eq3A_170 : vector<32x16x512xi1> to vector<32x16x512xi32>
    %convert_element_type3A_172 = arith.sitofp %convert_element_type3A_171 : vector<32x16x512xi32> to vector<32x16x512xf32>
    %and3A_173 = arith.constant 15 : i32
    %and3A_174 = vector.broadcast %and3A_173 : i32 to vector<32x1x512xi32>
    %and3A_175 = arith.andi %broadcast_in_dim3A_164, %and3A_174 : vector<32x1x512xi32>
    %eq3A_176 = vector.broadcast %and3A_175 : vector<32x1x512xi32> to vector<32x16x512xi32>
    %eq3A_177 = vector.broadcast %iota3A : vector<1x16x1xi32> to vector<32x16x512xi32>
    %eq3A_178 = arith.cmpi eq, %eq3A_176, %eq3A_177 : vector<32x16x512xi32>
    %convert_element_type3A_179 = arith.extui %eq3A_178 : vector<32x16x512xi1> to vector<32x16x512xi32>
    %convert_element_type3A_180 = arith.sitofp %convert_element_type3A_179 : vector<32x16x512xi32> to vector<32x16x512xf32>
    %dot_general3A_181 = arith.constant dense<0.000000e+00> : vector<32x16x16xf32>
    %dot_general3A_182 = tpu.matmul %convert_element_type3A_172, %convert_element_type3A_180, %dot_general3A_181 {dimension_numbers = #tpu.dot_dimension_numbers<[2], [2], [1], [1], [0, 0, 0, 1, 1, 1], [0], [0]>, transpose_lhs_hint = false} : vector<32x16x512xf32>, vector<32x16x512xf32>, vector<32x16x16xf32> -> vector<32x16x16xf32>
    %reduce_sum3A_183 = arith.constant dense<0.000000e+00> : vector<16x16xf32>
    %reduce_sum3A_184 = vector.multi_reduction <add>, %dot_general3A_182, %reduce_sum3A_183 [0] : vector<32x16x16xf32> to vector<16x16xf32>
    %add3A_185 = arith.addf %add3A_158, %reduce_sum3A_184 : vector<16x16xf32>
    %slice3A_186 = vector.extract_strided_slice %get3A_4 {offsets = [224, 0], sizes = [32, 512], strides = [1, 1]} : vector<512x512xf32> to vector<32x512xf32>
    %mul3A_187 = arith.constant 2.560000e+02 : f32
    %mul3A_188 = vector.broadcast %mul3A_187 : f32 to vector<32x512xf32>
    %mul3A_189 = arith.mulf %slice3A_186, %mul3A_188 : vector<32x512xf32>
    %convert_element_type3A_190 = arith.fptosi %mul3A_189 : vector<32x512xf32> to vector<32x512xi32>
    %broadcast_in_dim3A_191 = vector.shape_cast %convert_element_type3A_190 : vector<32x512xi32> to vector<32x1x512xi32>
    %shift_right_logical3A_192 = arith.constant 4 : i32
    %shift_right_logical3A_193 = vector.broadcast %shift_right_logical3A_192 : i32 to vector<32x1x512xi32>
    %shift_right_logical3A_194 = arith.shrui %broadcast_in_dim3A_191, %shift_right_logical3A_193 : vector<32x1x512xi32>
    %eq3A_195 = vector.broadcast %shift_right_logical3A_194 : vector<32x1x512xi32> to vector<32x16x512xi32>
    %eq3A_196 = vector.broadcast %iota3A : vector<1x16x1xi32> to vector<32x16x512xi32>
    %eq3A_197 = arith.cmpi eq, %eq3A_195, %eq3A_196 : vector<32x16x512xi32>
    %convert_element_type3A_198 = arith.extui %eq3A_197 : vector<32x16x512xi1> to vector<32x16x512xi32>
    %convert_element_type3A_199 = arith.sitofp %convert_element_type3A_198 : vector<32x16x512xi32> to vector<32x16x512xf32>
    %and3A_200 = arith.constant 15 : i32
    %and3A_201 = vector.broadcast %and3A_200 : i32 to vector<32x1x512xi32>
    %and3A_202 = arith.andi %broadcast_in_dim3A_191, %and3A_201 : vector<32x1x512xi32>
    %eq3A_203 = vector.broadcast %and3A_202 : vector<32x1x512xi32> to vector<32x16x512xi32>
    %eq3A_204 = vector.broadcast %iota3A : vector<1x16x1xi32> to vector<32x16x512xi32>
    %eq3A_205 = arith.cmpi eq, %eq3A_203, %eq3A_204 : vector<32x16x512xi32>
    %convert_element_type3A_206 = arith.extui %eq3A_205 : vector<32x16x512xi1> to vector<32x16x512xi32>
    %convert_element_type3A_207 = arith.sitofp %convert_element_type3A_206 : vector<32x16x512xi32> to vector<32x16x512xf32>
    %dot_general3A_208 = arith.constant dense<0.000000e+00> : vector<32x16x16xf32>
    %dot_general3A_209 = tpu.matmul %convert_element_type3A_199, %convert_element_type3A_207, %dot_general3A_208 {dimension_numbers = #tpu.dot_dimension_numbers<[2], [2], [1], [1], [0, 0, 0, 1, 1, 1], [0], [0]>, transpose_lhs_hint = false} : vector<32x16x512xf32>, vector<32x16x512xf32>, vector<32x16x16xf32> -> vector<32x16x16xf32>
    %reduce_sum3A_210 = arith.constant dense<0.000000e+00> : vector<16x16xf32>
    %reduce_sum3A_211 = vector.multi_reduction <add>, %dot_general3A_209, %reduce_sum3A_210 [0] : vector<32x16x16xf32> to vector<16x16xf32>
    %add3A_212 = arith.addf %add3A_185, %reduce_sum3A_211 : vector<16x16xf32>
    %slice3A_213 = vector.extract_strided_slice %get3A_4 {offsets = [256, 0], sizes = [32, 512], strides = [1, 1]} : vector<512x512xf32> to vector<32x512xf32>
    %mul3A_214 = arith.constant 2.560000e+02 : f32
    %mul3A_215 = vector.broadcast %mul3A_214 : f32 to vector<32x512xf32>
    %mul3A_216 = arith.mulf %slice3A_213, %mul3A_215 : vector<32x512xf32>
    %convert_element_type3A_217 = arith.fptosi %mul3A_216 : vector<32x512xf32> to vector<32x512xi32>
    %broadcast_in_dim3A_218 = vector.shape_cast %convert_element_type3A_217 : vector<32x512xi32> to vector<32x1x512xi32>
    %shift_right_logical3A_219 = arith.constant 4 : i32
    %shift_right_logical3A_220 = vector.broadcast %shift_right_logical3A_219 : i32 to vector<32x1x512xi32>
    %shift_right_logical3A_221 = arith.shrui %broadcast_in_dim3A_218, %shift_right_logical3A_220 : vector<32x1x512xi32>
    %eq3A_222 = vector.broadcast %shift_right_logical3A_221 : vector<32x1x512xi32> to vector<32x16x512xi32>
    %eq3A_223 = vector.broadcast %iota3A : vector<1x16x1xi32> to vector<32x16x512xi32>
    %eq3A_224 = arith.cmpi eq, %eq3A_222, %eq3A_223 : vector<32x16x512xi32>
    %convert_element_type3A_225 = arith.extui %eq3A_224 : vector<32x16x512xi1> to vector<32x16x512xi32>
    %convert_element_type3A_226 = arith.sitofp %convert_element_type3A_225 : vector<32x16x512xi32> to vector<32x16x512xf32>
    %and3A_227 = arith.constant 15 : i32
    %and3A_228 = vector.broadcast %and3A_227 : i32 to vector<32x1x512xi32>
    %and3A_229 = arith.andi %broadcast_in_dim3A_218, %and3A_228 : vector<32x1x512xi32>
    %eq3A_230 = vector.broadcast %and3A_229 : vector<32x1x512xi32> to vector<32x16x512xi32>
    %eq3A_231 = vector.broadcast %iota3A : vector<1x16x1xi32> to vector<32x16x512xi32>
    %eq3A_232 = arith.cmpi eq, %eq3A_230, %eq3A_231 : vector<32x16x512xi32>
    %convert_element_type3A_233 = arith.extui %eq3A_232 : vector<32x16x512xi1> to vector<32x16x512xi32>
    %convert_element_type3A_234 = arith.sitofp %convert_element_type3A_233 : vector<32x16x512xi32> to vector<32x16x512xf32>
    %dot_general3A_235 = arith.constant dense<0.000000e+00> : vector<32x16x16xf32>
    %dot_general3A_236 = tpu.matmul %convert_element_type3A_226, %convert_element_type3A_234, %dot_general3A_235 {dimension_numbers = #tpu.dot_dimension_numbers<[2], [2], [1], [1], [0, 0, 0, 1, 1, 1], [0], [0]>, transpose_lhs_hint = false} : vector<32x16x512xf32>, vector<32x16x512xf32>, vector<32x16x16xf32> -> vector<32x16x16xf32>
    %reduce_sum3A_237 = arith.constant dense<0.000000e+00> : vector<16x16xf32>
    %reduce_sum3A_238 = vector.multi_reduction <add>, %dot_general3A_236, %reduce_sum3A_237 [0] : vector<32x16x16xf32> to vector<16x16xf32>
    %add3A_239 = arith.addf %add3A_212, %reduce_sum3A_238 : vector<16x16xf32>
    %slice3A_240 = vector.extract_strided_slice %get3A_4 {offsets = [288, 0], sizes = [32, 512], strides = [1, 1]} : vector<512x512xf32> to vector<32x512xf32>
    %mul3A_241 = arith.constant 2.560000e+02 : f32
    %mul3A_242 = vector.broadcast %mul3A_241 : f32 to vector<32x512xf32>
    %mul3A_243 = arith.mulf %slice3A_240, %mul3A_242 : vector<32x512xf32>
    %convert_element_type3A_244 = arith.fptosi %mul3A_243 : vector<32x512xf32> to vector<32x512xi32>
    %broadcast_in_dim3A_245 = vector.shape_cast %convert_element_type3A_244 : vector<32x512xi32> to vector<32x1x512xi32>
    %shift_right_logical3A_246 = arith.constant 4 : i32
    %shift_right_logical3A_247 = vector.broadcast %shift_right_logical3A_246 : i32 to vector<32x1x512xi32>
    %shift_right_logical3A_248 = arith.shrui %broadcast_in_dim3A_245, %shift_right_logical3A_247 : vector<32x1x512xi32>
    %eq3A_249 = vector.broadcast %shift_right_logical3A_248 : vector<32x1x512xi32> to vector<32x16x512xi32>
    %eq3A_250 = vector.broadcast %iota3A : vector<1x16x1xi32> to vector<32x16x512xi32>
    %eq3A_251 = arith.cmpi eq, %eq3A_249, %eq3A_250 : vector<32x16x512xi32>
    %convert_element_type3A_252 = arith.extui %eq3A_251 : vector<32x16x512xi1> to vector<32x16x512xi32>
    %convert_element_type3A_253 = arith.sitofp %convert_element_type3A_252 : vector<32x16x512xi32> to vector<32x16x512xf32>
    %and3A_254 = arith.constant 15 : i32
    %and3A_255 = vector.broadcast %and3A_254 : i32 to vector<32x1x512xi32>
    %and3A_256 = arith.andi %broadcast_in_dim3A_245, %and3A_255 : vector<32x1x512xi32>
    %eq3A_257 = vector.broadcast %and3A_256 : vector<32x1x512xi32> to vector<32x16x512xi32>
    %eq3A_258 = vector.broadcast %iota3A : vector<1x16x1xi32> to vector<32x16x512xi32>
    %eq3A_259 = arith.cmpi eq, %eq3A_257, %eq3A_258 : vector<32x16x512xi32>
    %convert_element_type3A_260 = arith.extui %eq3A_259 : vector<32x16x512xi1> to vector<32x16x512xi32>
    %convert_element_type3A_261 = arith.sitofp %convert_element_type3A_260 : vector<32x16x512xi32> to vector<32x16x512xf32>
    %dot_general3A_262 = arith.constant dense<0.000000e+00> : vector<32x16x16xf32>
    %dot_general3A_263 = tpu.matmul %convert_element_type3A_253, %convert_element_type3A_261, %dot_general3A_262 {dimension_numbers = #tpu.dot_dimension_numbers<[2], [2], [1], [1], [0, 0, 0, 1, 1, 1], [0], [0]>, transpose_lhs_hint = false} : vector<32x16x512xf32>, vector<32x16x512xf32>, vector<32x16x16xf32> -> vector<32x16x16xf32>
    %reduce_sum3A_264 = arith.constant dense<0.000000e+00> : vector<16x16xf32>
    %reduce_sum3A_265 = vector.multi_reduction <add>, %dot_general3A_263, %reduce_sum3A_264 [0] : vector<32x16x16xf32> to vector<16x16xf32>
    %add3A_266 = arith.addf %add3A_239, %reduce_sum3A_265 : vector<16x16xf32>
    %slice3A_267 = vector.extract_strided_slice %get3A_4 {offsets = [320, 0], sizes = [32, 512], strides = [1, 1]} : vector<512x512xf32> to vector<32x512xf32>
    %mul3A_268 = arith.constant 2.560000e+02 : f32
    %mul3A_269 = vector.broadcast %mul3A_268 : f32 to vector<32x512xf32>
    %mul3A_270 = arith.mulf %slice3A_267, %mul3A_269 : vector<32x512xf32>
    %convert_element_type3A_271 = arith.fptosi %mul3A_270 : vector<32x512xf32> to vector<32x512xi32>
    %broadcast_in_dim3A_272 = vector.shape_cast %convert_element_type3A_271 : vector<32x512xi32> to vector<32x1x512xi32>
    %shift_right_logical3A_273 = arith.constant 4 : i32
    %shift_right_logical3A_274 = vector.broadcast %shift_right_logical3A_273 : i32 to vector<32x1x512xi32>
    %shift_right_logical3A_275 = arith.shrui %broadcast_in_dim3A_272, %shift_right_logical3A_274 : vector<32x1x512xi32>
    %eq3A_276 = vector.broadcast %shift_right_logical3A_275 : vector<32x1x512xi32> to vector<32x16x512xi32>
    %eq3A_277 = vector.broadcast %iota3A : vector<1x16x1xi32> to vector<32x16x512xi32>
    %eq3A_278 = arith.cmpi eq, %eq3A_276, %eq3A_277 : vector<32x16x512xi32>
    %convert_element_type3A_279 = arith.extui %eq3A_278 : vector<32x16x512xi1> to vector<32x16x512xi32>
    %convert_element_type3A_280 = arith.sitofp %convert_element_type3A_279 : vector<32x16x512xi32> to vector<32x16x512xf32>
    %and3A_281 = arith.constant 15 : i32
    %and3A_282 = vector.broadcast %and3A_281 : i32 to vector<32x1x512xi32>
    %and3A_283 = arith.andi %broadcast_in_dim3A_272, %and3A_282 : vector<32x1x512xi32>
    %eq3A_284 = vector.broadcast %and3A_283 : vector<32x1x512xi32> to vector<32x16x512xi32>
    %eq3A_285 = vector.broadcast %iota3A : vector<1x16x1xi32> to vector<32x16x512xi32>
    %eq3A_286 = arith.cmpi eq, %eq3A_284, %eq3A_285 : vector<32x16x512xi32>
    %convert_element_type3A_287 = arith.extui %eq3A_286 : vector<32x16x512xi1> to vector<32x16x512xi32>
    %convert_element_type3A_288 = arith.sitofp %convert_element_type3A_287 : vector<32x16x512xi32> to vector<32x16x512xf32>
    %dot_general3A_289 = arith.constant dense<0.000000e+00> : vector<32x16x16xf32>
    %dot_general3A_290 = tpu.matmul %convert_element_type3A_280, %convert_element_type3A_288, %dot_general3A_289 {dimension_numbers = #tpu.dot_dimension_numbers<[2], [2], [1], [1], [0, 0, 0, 1, 1, 1], [0], [0]>, transpose_lhs_hint = false} : vector<32x16x512xf32>, vector<32x16x512xf32>, vector<32x16x16xf32> -> vector<32x16x16xf32>
    %reduce_sum3A_291 = arith.constant dense<0.000000e+00> : vector<16x16xf32>
    %reduce_sum3A_292 = vector.multi_reduction <add>, %dot_general3A_290, %reduce_sum3A_291 [0] : vector<32x16x16xf32> to vector<16x16xf32>
    %add3A_293 = arith.addf %add3A_266, %reduce_sum3A_292 : vector<16x16xf32>
    %slice3A_294 = vector.extract_strided_slice %get3A_4 {offsets = [352, 0], sizes = [32, 512], strides = [1, 1]} : vector<512x512xf32> to vector<32x512xf32>
    %mul3A_295 = arith.constant 2.560000e+02 : f32
    %mul3A_296 = vector.broadcast %mul3A_295 : f32 to vector<32x512xf32>
    %mul3A_297 = arith.mulf %slice3A_294, %mul3A_296 : vector<32x512xf32>
    %convert_element_type3A_298 = arith.fptosi %mul3A_297 : vector<32x512xf32> to vector<32x512xi32>
    %broadcast_in_dim3A_299 = vector.shape_cast %convert_element_type3A_298 : vector<32x512xi32> to vector<32x1x512xi32>
    %shift_right_logical3A_300 = arith.constant 4 : i32
    %shift_right_logical3A_301 = vector.broadcast %shift_right_logical3A_300 : i32 to vector<32x1x512xi32>
    %shift_right_logical3A_302 = arith.shrui %broadcast_in_dim3A_299, %shift_right_logical3A_301 : vector<32x1x512xi32>
    %eq3A_303 = vector.broadcast %shift_right_logical3A_302 : vector<32x1x512xi32> to vector<32x16x512xi32>
    %eq3A_304 = vector.broadcast %iota3A : vector<1x16x1xi32> to vector<32x16x512xi32>
    %eq3A_305 = arith.cmpi eq, %eq3A_303, %eq3A_304 : vector<32x16x512xi32>
    %convert_element_type3A_306 = arith.extui %eq3A_305 : vector<32x16x512xi1> to vector<32x16x512xi32>
    %convert_element_type3A_307 = arith.sitofp %convert_element_type3A_306 : vector<32x16x512xi32> to vector<32x16x512xf32>
    %and3A_308 = arith.constant 15 : i32
    %and3A_309 = vector.broadcast %and3A_308 : i32 to vector<32x1x512xi32>
    %and3A_310 = arith.andi %broadcast_in_dim3A_299, %and3A_309 : vector<32x1x512xi32>
    %eq3A_311 = vector.broadcast %and3A_310 : vector<32x1x512xi32> to vector<32x16x512xi32>
    %eq3A_312 = vector.broadcast %iota3A : vector<1x16x1xi32> to vector<32x16x512xi32>
    %eq3A_313 = arith.cmpi eq, %eq3A_311, %eq3A_312 : vector<32x16x512xi32>
    %convert_element_type3A_314 = arith.extui %eq3A_313 : vector<32x16x512xi1> to vector<32x16x512xi32>
    %convert_element_type3A_315 = arith.sitofp %convert_element_type3A_314 : vector<32x16x512xi32> to vector<32x16x512xf32>
    %dot_general3A_316 = arith.constant dense<0.000000e+00> : vector<32x16x16xf32>
    %dot_general3A_317 = tpu.matmul %convert_element_type3A_307, %convert_element_type3A_315, %dot_general3A_316 {dimension_numbers = #tpu.dot_dimension_numbers<[2], [2], [1], [1], [0, 0, 0, 1, 1, 1], [0], [0]>, transpose_lhs_hint = false} : vector<32x16x512xf32>, vector<32x16x512xf32>, vector<32x16x16xf32> -> vector<32x16x16xf32>
    %reduce_sum3A_318 = arith.constant dense<0.000000e+00> : vector<16x16xf32>
    %reduce_sum3A_319 = vector.multi_reduction <add>, %dot_general3A_317, %reduce_sum3A_318 [0] : vector<32x16x16xf32> to vector<16x16xf32>
    %add3A_320 = arith.addf %add3A_293, %reduce_sum3A_319 : vector<16x16xf32>
    %slice3A_321 = vector.extract_strided_slice %get3A_4 {offsets = [384, 0], sizes = [32, 512], strides = [1, 1]} : vector<512x512xf32> to vector<32x512xf32>
    %mul3A_322 = arith.constant 2.560000e+02 : f32
    %mul3A_323 = vector.broadcast %mul3A_322 : f32 to vector<32x512xf32>
    %mul3A_324 = arith.mulf %slice3A_321, %mul3A_323 : vector<32x512xf32>
    %convert_element_type3A_325 = arith.fptosi %mul3A_324 : vector<32x512xf32> to vector<32x512xi32>
    %broadcast_in_dim3A_326 = vector.shape_cast %convert_element_type3A_325 : vector<32x512xi32> to vector<32x1x512xi32>
    %shift_right_logical3A_327 = arith.constant 4 : i32
    %shift_right_logical3A_328 = vector.broadcast %shift_right_logical3A_327 : i32 to vector<32x1x512xi32>
    %shift_right_logical3A_329 = arith.shrui %broadcast_in_dim3A_326, %shift_right_logical3A_328 : vector<32x1x512xi32>
    %eq3A_330 = vector.broadcast %shift_right_logical3A_329 : vector<32x1x512xi32> to vector<32x16x512xi32>
    %eq3A_331 = vector.broadcast %iota3A : vector<1x16x1xi32> to vector<32x16x512xi32>
    %eq3A_332 = arith.cmpi eq, %eq3A_330, %eq3A_331 : vector<32x16x512xi32>
    %convert_element_type3A_333 = arith.extui %eq3A_332 : vector<32x16x512xi1> to vector<32x16x512xi32>
    %convert_element_type3A_334 = arith.sitofp %convert_element_type3A_333 : vector<32x16x512xi32> to vector<32x16x512xf32>
    %and3A_335 = arith.constant 15 : i32
    %and3A_336 = vector.broadcast %and3A_335 : i32 to vector<32x1x512xi32>
    %and3A_337 = arith.andi %broadcast_in_dim3A_326, %and3A_336 : vector<32x1x512xi32>
    %eq3A_338 = vector.broadcast %and3A_337 : vector<32x1x512xi32> to vector<32x16x512xi32>
    %eq3A_339 = vector.broadcast %iota3A : vector<1x16x1xi32> to vector<32x16x512xi32>
    %eq3A_340 = arith.cmpi eq, %eq3A_338, %eq3A_339 : vector<32x16x512xi32>
    %convert_element_type3A_341 = arith.extui %eq3A_340 : vector<32x16x512xi1> to vector<32x16x512xi32>
    %convert_element_type3A_342 = arith.sitofp %convert_element_type3A_341 : vector<32x16x512xi32> to vector<32x16x512xf32>
    %dot_general3A_343 = arith.constant dense<0.000000e+00> : vector<32x16x16xf32>
    %dot_general3A_344 = tpu.matmul %convert_element_type3A_334, %convert_element_type3A_342, %dot_general3A_343 {dimension_numbers = #tpu.dot_dimension_numbers<[2], [2], [1], [1], [0, 0, 0, 1, 1, 1], [0], [0]>, transpose_lhs_hint = false} : vector<32x16x512xf32>, vector<32x16x512xf32>, vector<32x16x16xf32> -> vector<32x16x16xf32>
    %reduce_sum3A_345 = arith.constant dense<0.000000e+00> : vector<16x16xf32>
    %reduce_sum3A_346 = vector.multi_reduction <add>, %dot_general3A_344, %reduce_sum3A_345 [0] : vector<32x16x16xf32> to vector<16x16xf32>
    %add3A_347 = arith.addf %add3A_320, %reduce_sum3A_346 : vector<16x16xf32>
    %slice3A_348 = vector.extract_strided_slice %get3A_4 {offsets = [416, 0], sizes = [32, 512], strides = [1, 1]} : vector<512x512xf32> to vector<32x512xf32>
    %mul3A_349 = arith.constant 2.560000e+02 : f32
    %mul3A_350 = vector.broadcast %mul3A_349 : f32 to vector<32x512xf32>
    %mul3A_351 = arith.mulf %slice3A_348, %mul3A_350 : vector<32x512xf32>
    %convert_element_type3A_352 = arith.fptosi %mul3A_351 : vector<32x512xf32> to vector<32x512xi32>
    %broadcast_in_dim3A_353 = vector.shape_cast %convert_element_type3A_352 : vector<32x512xi32> to vector<32x1x512xi32>
    %shift_right_logical3A_354 = arith.constant 4 : i32
    %shift_right_logical3A_355 = vector.broadcast %shift_right_logical3A_354 : i32 to vector<32x1x512xi32>
    %shift_right_logical3A_356 = arith.shrui %broadcast_in_dim3A_353, %shift_right_logical3A_355 : vector<32x1x512xi32>
    %eq3A_357 = vector.broadcast %shift_right_logical3A_356 : vector<32x1x512xi32> to vector<32x16x512xi32>
    %eq3A_358 = vector.broadcast %iota3A : vector<1x16x1xi32> to vector<32x16x512xi32>
    %eq3A_359 = arith.cmpi eq, %eq3A_357, %eq3A_358 : vector<32x16x512xi32>
    %convert_element_type3A_360 = arith.extui %eq3A_359 : vector<32x16x512xi1> to vector<32x16x512xi32>
    %convert_element_type3A_361 = arith.sitofp %convert_element_type3A_360 : vector<32x16x512xi32> to vector<32x16x512xf32>
    %and3A_362 = arith.constant 15 : i32
    %and3A_363 = vector.broadcast %and3A_362 : i32 to vector<32x1x512xi32>
    %and3A_364 = arith.andi %broadcast_in_dim3A_353, %and3A_363 : vector<32x1x512xi32>
    %eq3A_365 = vector.broadcast %and3A_364 : vector<32x1x512xi32> to vector<32x16x512xi32>
    %eq3A_366 = vector.broadcast %iota3A : vector<1x16x1xi32> to vector<32x16x512xi32>
    %eq3A_367 = arith.cmpi eq, %eq3A_365, %eq3A_366 : vector<32x16x512xi32>
    %convert_element_type3A_368 = arith.extui %eq3A_367 : vector<32x16x512xi1> to vector<32x16x512xi32>
    %convert_element_type3A_369 = arith.sitofp %convert_element_type3A_368 : vector<32x16x512xi32> to vector<32x16x512xf32>
    %dot_general3A_370 = arith.constant dense<0.000000e+00> : vector<32x16x16xf32>
    %dot_general3A_371 = tpu.matmul %convert_element_type3A_361, %convert_element_type3A_369, %dot_general3A_370 {dimension_numbers = #tpu.dot_dimension_numbers<[2], [2], [1], [1], [0, 0, 0, 1, 1, 1], [0], [0]>, transpose_lhs_hint = false} : vector<32x16x512xf32>, vector<32x16x512xf32>, vector<32x16x16xf32> -> vector<32x16x16xf32>
    %reduce_sum3A_372 = arith.constant dense<0.000000e+00> : vector<16x16xf32>
    %reduce_sum3A_373 = vector.multi_reduction <add>, %dot_general3A_371, %reduce_sum3A_372 [0] : vector<32x16x16xf32> to vector<16x16xf32>
    %add3A_374 = arith.addf %add3A_347, %reduce_sum3A_373 : vector<16x16xf32>
    %slice3A_375 = vector.extract_strided_slice %get3A_4 {offsets = [448, 0], sizes = [32, 512], strides = [1, 1]} : vector<512x512xf32> to vector<32x512xf32>
    %mul3A_376 = arith.constant 2.560000e+02 : f32
    %mul3A_377 = vector.broadcast %mul3A_376 : f32 to vector<32x512xf32>
    %mul3A_378 = arith.mulf %slice3A_375, %mul3A_377 : vector<32x512xf32>
    %convert_element_type3A_379 = arith.fptosi %mul3A_378 : vector<32x512xf32> to vector<32x512xi32>
    %broadcast_in_dim3A_380 = vector.shape_cast %convert_element_type3A_379 : vector<32x512xi32> to vector<32x1x512xi32>
    %shift_right_logical3A_381 = arith.constant 4 : i32
    %shift_right_logical3A_382 = vector.broadcast %shift_right_logical3A_381 : i32 to vector<32x1x512xi32>
    %shift_right_logical3A_383 = arith.shrui %broadcast_in_dim3A_380, %shift_right_logical3A_382 : vector<32x1x512xi32>
    %eq3A_384 = vector.broadcast %shift_right_logical3A_383 : vector<32x1x512xi32> to vector<32x16x512xi32>
    %eq3A_385 = vector.broadcast %iota3A : vector<1x16x1xi32> to vector<32x16x512xi32>
    %eq3A_386 = arith.cmpi eq, %eq3A_384, %eq3A_385 : vector<32x16x512xi32>
    %convert_element_type3A_387 = arith.extui %eq3A_386 : vector<32x16x512xi1> to vector<32x16x512xi32>
    %convert_element_type3A_388 = arith.sitofp %convert_element_type3A_387 : vector<32x16x512xi32> to vector<32x16x512xf32>
    %and3A_389 = arith.constant 15 : i32
    %and3A_390 = vector.broadcast %and3A_389 : i32 to vector<32x1x512xi32>
    %and3A_391 = arith.andi %broadcast_in_dim3A_380, %and3A_390 : vector<32x1x512xi32>
    %eq3A_392 = vector.broadcast %and3A_391 : vector<32x1x512xi32> to vector<32x16x512xi32>
    %eq3A_393 = vector.broadcast %iota3A : vector<1x16x1xi32> to vector<32x16x512xi32>
    %eq3A_394 = arith.cmpi eq, %eq3A_392, %eq3A_393 : vector<32x16x512xi32>
    %convert_element_type3A_395 = arith.extui %eq3A_394 : vector<32x16x512xi1> to vector<32x16x512xi32>
    %convert_element_type3A_396 = arith.sitofp %convert_element_type3A_395 : vector<32x16x512xi32> to vector<32x16x512xf32>
    %dot_general3A_397 = arith.constant dense<0.000000e+00> : vector<32x16x16xf32>
    %dot_general3A_398 = tpu.matmul %convert_element_type3A_388, %convert_element_type3A_396, %dot_general3A_397 {dimension_numbers = #tpu.dot_dimension_numbers<[2], [2], [1], [1], [0, 0, 0, 1, 1, 1], [0], [0]>, transpose_lhs_hint = false} : vector<32x16x512xf32>, vector<32x16x512xf32>, vector<32x16x16xf32> -> vector<32x16x16xf32>
    %reduce_sum3A_399 = arith.constant dense<0.000000e+00> : vector<16x16xf32>
    %reduce_sum3A_400 = vector.multi_reduction <add>, %dot_general3A_398, %reduce_sum3A_399 [0] : vector<32x16x16xf32> to vector<16x16xf32>
    %add3A_401 = arith.addf %add3A_374, %reduce_sum3A_400 : vector<16x16xf32>
    %slice3A_402 = vector.extract_strided_slice %get3A_4 {offsets = [480, 0], sizes = [32, 512], strides = [1, 1]} : vector<512x512xf32> to vector<32x512xf32>
    %mul3A_403 = arith.constant 2.560000e+02 : f32
    %mul3A_404 = vector.broadcast %mul3A_403 : f32 to vector<32x512xf32>
    %mul3A_405 = arith.mulf %slice3A_402, %mul3A_404 : vector<32x512xf32>
    %convert_element_type3A_406 = arith.fptosi %mul3A_405 : vector<32x512xf32> to vector<32x512xi32>
    %broadcast_in_dim3A_407 = vector.shape_cast %convert_element_type3A_406 : vector<32x512xi32> to vector<32x1x512xi32>
    %shift_right_logical3A_408 = arith.constant 4 : i32
    %shift_right_logical3A_409 = vector.broadcast %shift_right_logical3A_408 : i32 to vector<32x1x512xi32>
    %shift_right_logical3A_410 = arith.shrui %broadcast_in_dim3A_407, %shift_right_logical3A_409 : vector<32x1x512xi32>
    %eq3A_411 = vector.broadcast %shift_right_logical3A_410 : vector<32x1x512xi32> to vector<32x16x512xi32>
    %eq3A_412 = vector.broadcast %iota3A : vector<1x16x1xi32> to vector<32x16x512xi32>
    %eq3A_413 = arith.cmpi eq, %eq3A_411, %eq3A_412 : vector<32x16x512xi32>
    %convert_element_type3A_414 = arith.extui %eq3A_413 : vector<32x16x512xi1> to vector<32x16x512xi32>
    %convert_element_type3A_415 = arith.sitofp %convert_element_type3A_414 : vector<32x16x512xi32> to vector<32x16x512xf32>
    %and3A_416 = arith.constant 15 : i32
    %and3A_417 = vector.broadcast %and3A_416 : i32 to vector<32x1x512xi32>
    %and3A_418 = arith.andi %broadcast_in_dim3A_407, %and3A_417 : vector<32x1x512xi32>
    %eq3A_419 = vector.broadcast %and3A_418 : vector<32x1x512xi32> to vector<32x16x512xi32>
    %eq3A_420 = vector.broadcast %iota3A : vector<1x16x1xi32> to vector<32x16x512xi32>
    %eq3A_421 = arith.cmpi eq, %eq3A_419, %eq3A_420 : vector<32x16x512xi32>
    %convert_element_type3A_422 = arith.extui %eq3A_421 : vector<32x16x512xi1> to vector<32x16x512xi32>
    %convert_element_type3A_423 = arith.sitofp %convert_element_type3A_422 : vector<32x16x512xi32> to vector<32x16x512xf32>
    %dot_general3A_424 = arith.constant dense<0.000000e+00> : vector<32x16x16xf32>
    %dot_general3A_425 = tpu.matmul %convert_element_type3A_415, %convert_element_type3A_423, %dot_general3A_424 {dimension_numbers = #tpu.dot_dimension_numbers<[2], [2], [1], [1], [0, 0, 0, 1, 1, 1], [0], [0]>, transpose_lhs_hint = false} : vector<32x16x512xf32>, vector<32x16x512xf32>, vector<32x16x16xf32> -> vector<32x16x16xf32>
    %reduce_sum3A_426 = arith.constant dense<0.000000e+00> : vector<16x16xf32>
    %reduce_sum3A_427 = vector.multi_reduction <add>, %dot_general3A_425, %reduce_sum3A_426 [0] : vector<32x16x16xf32> to vector<16x16xf32>
    %add3A_428 = arith.addf %add3A_401, %reduce_sum3A_427 : vector<16x16xf32>
    %eq3A_429 = arith.constant 0 : i32
    %eq3A_430 = arith.cmpi eq, %arg1, %eq3A_429 : i32
    %convert_element_type3A_431 = arith.extui %eq3A_430 : i1 to i32
    %cond3A = arith.constant 0 : i32
    %cond3A_432 = arith.cmpi ne, %convert_element_type3A_431, %cond3A : i32
    scf.if %cond3A_432 {
      %broadcast_in_dim3A_442 = arith.constant 0.000000e+00 : f32
      %broadcast_in_dim3A_443 = vector.broadcast %broadcast_in_dim3A_442 : f32 to vector<1x16x16xf32>
      %swap3A_444 = arith.constant 0 : index
      %swap3A_445 = arith.constant 0 : index
      %swap3A_446 = arith.constant 0 : index
      %swap3A_447 = vector.load %arg3[%swap3A_444, %swap3A_445, %swap3A_446] : memref<1x16x16xf32, #tpu.memory_space<vmem>>, vector<1x16x16xf32>
      tpu.vector_store %arg3[%swap3A_444, %swap3A_445, %swap3A_446], %broadcast_in_dim3A_443 {strides = array<i32>} : memref<1x16x16xf32, #tpu.memory_space<vmem>>, vector<1x16x16xf32>,
    } else {
    }
    %get3A_433 = arith.constant 0 : index
    %get3A_434 = arith.constant 0 : index
    %get3A_435 = arith.constant 0 : index
    %get3A_436 = vector.load %arg3[%get3A_433, %get3A_434, %get3A_435] : memref<1x16x16xf32, #tpu.memory_space<vmem>>, vector<1x16x16xf32>
    %broadcast_in_dim3A_437 = vector.shape_cast %add3A_428 : vector<16x16xf32> to vector<1x16x16xf32>
    %add3A_438 = arith.addf %get3A_436, %broadcast_in_dim3A_437 : vector<1x16x16xf32>
    %swap3A = arith.constant 0 : index
    %swap3A_439 = arith.constant 0 : index
    %swap3A_440 = arith.constant 0 : index
    %swap3A_441 = vector.load %arg3[%swap3A, %swap3A_439, %swap3A_440] : memref<1x16x16xf32, #tpu.memory_space<vmem>>, vector<1x16x16xf32>
    tpu.vector_store %arg3[%swap3A, %swap3A_439, %swap3A_440], %add3A_438 {strides = array<i32>} : memref<1x16x16xf32, #tpu.memory_space<vmem>>, vector<1x16x16xf32>,
    return
  }
  func.func @transform_0(%arg0: i32, %arg1: i32) -> (i32, i32, i32, i32) {
    %add3A = arith.constant 25 : i32
    %add3A_0 = arith.addi %add3A, %arg1 : i32
    %c0_i32 = arith.constant 0 : i32
    %c0_i32_1 = arith.constant 0 : i32
    %c0_i32_2 = arith.constant 0 : i32
    return %add3A_0, %arg0, %c0_i32, %c0_i32_1 : i32, i32, i32, i32
  }
  func.func @transform_1(%arg0: i32, %arg1: i32) -> (i32, i32, i32) {
    %c0_i32 = arith.constant 0 : i32
    %c0_i32_0 = arith.constant 0 : i32
    %c0_i32_1 = arith.constant 0 : i32
    return %arg0, %c0_i32, %c0_i32_0 : i32, i32, i32
  }
}

</mosaic_0001>

<sc_bundles>
// kernel: kernel.6.cloned.1.call-start
scs
__scs_entry_jumppad:
0x0: {  	(pc) =	sbr.rel $0x88, $3  }
0x1: {  	(tag) =	ssettag $0x0;
	lr =	simm.s32 $0x1  }
0x2: {  	[smem:$0x3F9F] =	sst lr;
	_ =	strace $0xD0000000  }
0x3: {  	_ = 	snop  }
0x4: {  	_ = 	snop  }
0x5: {  	_ = 	snop  }
0x6: {  	_ = 	snop  }
0x7: {  	_ = 	snop  }
__scs_overlays_trampoline_lowered:
0x8: {  	[smem:$0x3FAE] =	sst s0  }
0x9: {  	[smem:$0x3FAF] =	sst s1  }
0xa: {  	[smem:$0x3FB0] =	sst s2  }
0xb: {  	[smem:$0x3FB1] =	sst s3  }
0xc: {  	[smem:$0x3FB2] =	sst s4  }
0xd: {  	[smem:$0x3FB3] =	sst s5  }
0xe: {  	[smem:$0x3FB4] =	sst s6  }
0xf: {  	[smem:$0x3FB5] =	sst s7  }
0x10: {  	[smem:$0x3FB6] =	sst s8  }
0x11: {  	[smem:$0x3FB7] =	sst s9;
	s0 =	simm.s32 @!p0 $0x0  }
0x12: {  	s1 =	sld [smem:$0x3F9D];
	s0 =	simm.s32 @p0 $0x1  }
0x13: {  	[smem:$0x3FB8] =	sst s0;
	s0 =	simm.s32 @!p1 $0x0  }
0x14: {  	s2 =	sld [smem:$0x3F9C];
	s0 =	simm.s32 @p1 $0x1  }
0x15: {  	[smem:$0x3FB9] =	sst s0;
	s0 =	simm.s32 @!p2 $0x0  }
0x16: {  	s3 =	sld [smem:$0x3FDB];
	s0 =	simm.s32 @p2 $0x1  }
0x17: {  	s4 =	simm.s32 $0x1BF5;
	[smem:$0x3FBB] =	sst s0  }
0x18: {  	s0 =	sld [smem:$0x3F9E];
	_ =	swait.ge [sflag:s4], $0x0  }
0x19: {  	s7 =	sld [smem:$0x3F9F]  }
0x1a: {  	s8 =	sadd.s32 $0xFFFFE003, lr  }
0x1b: {  	s9 =	sadd.s32 $0xFFFFFEF7, lr;
	s5 =	simm.s32 $0xFFFFFFFF;
	p2 =	slt.u32 s8, $0xFFFFF086  }
0x1c: {  	p1 =	slt.u32 s9, $0xF7A;
	s5 =	simm.s32 @!p2 $0x0  }
0x1d: {  	s5 =	simm.s32 @p1 $0x1;
	p0 =	seq.s32 s7, s2  }
0x1e: {  	s7 =	smul.u32 @!p0 $0xF7A, s2;
	p2 =	seq.s32 @!p0 s5, $0x0  }
0x1f: {  	s9 =	smul.u32 $0xF7A, s1;
	s8 =	simm.s32 @!p0 $0x1BF5;
	p2 =	por !p2, p0  }
0x20: {  	[sflag:s8] =	ssyncset.s32 @!p0 $0xFFFFF086;
	s6 =	sadd.s32 @!p0 s3, s7;
	s7 =	simm.s32 @!p0 $0x108  }
0x21: {  	s3 =	sadd.s32 s3, s9;
	s6 =	sadd.s32 @!p0 $0x88, s6;
	s7 =	simm.s32 @p2 $0x1082  }
0x22: {  	[simem:s7], [sflag:s8] =	dma.local @!p0 [hbm:s6], $0xF7A  }
0x23: {  	s9 =	sor.u32 $0xD0000000, s2;
	s6 =	simm.s32 $0x108;
	_ =	swait.ge @!p0 [sflag:s8], $0x0  }
0x24: {  	s3 =	sadd.s32 $0x88, s3;
	s6 =	simm.s32 @!p1 $0x1082;
	[sflag:s4] =	ssyncset.s32 $0xFFFFF086  }
0x25: {  	[simem:s6], [sflag:s4] =	dma.local [hbm:s3], $0xF7A  }
0x26: {  	[smem:$0x3F9F] =	sst s1;
	(tag) =	ssettag s2;
	_ =	strace s9  }
0x27: {  	s1 =	sld [smem:$0x3FAF]  }
0x28: {  	s2 =	sld [smem:$0x3FB0]  }
0x29: {  	s4 =	sld [smem:$0x3FB2]  }
0x2a: {  	p0 =	seq.s32 s5, $0x0;
	s5 =	sld [smem:$0x3FB3]  }
0x2b: {  	s6 =	sld [smem:$0x3FB4]  }
0x2c: {  	s7 =	sld [smem:$0x3FB5]  }
0x2d: {  	s3 =	simm.s32 $0x108;
	s8 =	sld [smem:$0x3FB6]  }
0x2e: {  	s3 =	simm.s32 @!p0 $0x1082;
	s9 =	sld [smem:$0x3FB7]  }
0x2f: {  	lr =	sadd.s32 s0, s3;
	s0 =	sld [smem:$0x3FAE]  }
0x30: {  	s3 =	sld [smem:$0x3FB1]  }
0x31: {  	[smem:$0x3FBA] =	sst s10  }
0x32: {  	s10 =	sld [smem:$0x3FB8];
	_ =	sdelay $0x3  }
0x33: {  	p0 =	seq.s32 s10, $0x1;
	s10 =	sld [smem:$0x3FBA];
	_ =	sdelay $0x3  }
0x34: {  	[smem:$0x3FBA] =	sst s10  }
0x35: {  	s10 =	sld [smem:$0x3FB9];
	_ =	sdelay $0x3  }
0x36: {  	p1 =	seq.s32 s10, $0x1;
	s10 =	sld [smem:$0x3FBA];
	_ =	sdelay $0x3  }
0x37: {  	[smem:$0x3FBA] =	sst s10  }
0x38: {  	s10 =	sld [smem:$0x3FBB]  }
0x39: {  	_ = 	snop;
	(pc) =	sbr.ind lr, $3  }
0x3a: {  	_ = 	snop  }
0x3b: {  	_ = 	snop  }
0x3c: {  	p2 =	seq.s32 s10, $0x1;
	s10 =	sld [smem:$0x3FBA]  }
0x3d: {  	_ =	shalt  }
0x3e: {  	_ =	shalt  }
0x3f: {  	_ =	shalt  }
0x40: {  	_ =	shalt  }
0x41: {  	_ =	shalt  }
0x42: {  	_ =	shalt  }
0x43: {  	_ =	shalt  }
0x44: {  	_ =	shalt  }
0x45: {  	_ =	shalt  }
0x46: {  	_ =	shalt  }
0x47: {  	_ =	shalt  }
0x48: {  	_ =	shalt  }
0x49: {  	_ =	shalt  }
0x4a: {  	_ =	shalt  }
0x4b: {  	_ =	shalt  }
0x4c: {  	_ =	shalt  }
0x4d: {  	_ =	shalt  }
0x4e: {  	_ =	shalt  }
0x4f: {  	_ =	shalt  }
0x50: {  	_ =	shalt  }
0x51: {  	_ =	shalt  }
0x52: {  	_ =	shalt  }
0x53: {  	_ =	shalt  }
0x54: {  	_ =	shalt  }
0x55: {  	_ =	shalt  }
0x56: {  	_ =	shalt  }
0x57: {  	_ =	shalt  }
0x58: {  	_ =	shalt  }
0x59: {  	_ =	shalt  }
0x5a: {  	_ =	shalt  }
0x5b: {  	_ =	shalt  }
0x5c: {  	_ =	shalt  }
0x5d: {  	_ =	shalt  }
0x5e: {  	_ =	shalt  }
0x5f: {  	_ =	shalt  }
0x60: {  	_ =	shalt  }
0x61: {  	_ =	shalt  }
0x62: {  	_ =	shalt  }
0x63: {  	_ =	shalt  }
0x64: {  	_ =	shalt  }
0x65: {  	_ =	shalt  }
0x66: {  	_ =	shalt  }
0x67: {  	_ =	shalt  }
0x68: {  	_ =	shalt  }
0x69: {  	_ =	shalt  }
0x6a: {  	_ =	shalt  }
0x6b: {  	_ =	shalt  }
0x6c: {  	_ =	shalt  }
0x6d: {  	_ =	shalt  }
0x6e: {  	_ =	shalt  }
0x6f: {  	_ =	shalt  }
0x70: {  	_ =	shalt  }
0x71: {  	_ =	shalt  }
0x72: {  	_ =	shalt  }
0x73: {  	_ =	shalt  }
0x74: {  	_ =	shalt  }
0x75: {  	_ =	shalt  }
0x76: {  	_ =	shalt  }
0x77: {  	_ =	shalt  }
0x78: {  	_ =	shalt  }
0x79: {  	_ =	shalt  }
0x7a: {  	_ =	shalt  }
0x7b: {  	_ =	shalt  }
0x7c: {  	_ =	shalt  }
0x7d: {  	_ =	shalt  }
0x7e: {  	_ =	shalt  }
0x7f: {  	_ =	shalt  }
0x80: {  	_ =	shalt  }
0x81: {  	_ =	shalt  }
0x82: {  	_ =	shalt  }
0x83: {  	_ =	shalt  }
0x84: {  	_ =	shalt  }
0x85: {  	_ =	shalt  }
0x86: {  	_ =	shalt  }
0x87: {  	_ =	shalt  }
.Lfunc_end0:
.L_simem_size_0:
called_computation_lowered:
.L_overlay_start_0:
0x88: {  	s2 =	sld [smem:$0x3FD9]  }
0x89: {  	s3 =	sld [smem:$0x3FFE];
	_ =	sdelay $0x1  }
0x8a: {  	s1 =	srdreg.scid  }
0x8b: {  	s0 =	sand.u32 $0x1, s1  }
0x8c: {  	s17 =	sshll.u32 s0, $0xA;
	s2 =	sadd.s32 s3, s2  }
0x8d: {  	s2 =	sadd.s32 s2, s17  }
0x8e: {  	[smem:$0x3FC6] =	sst s2  }
0x8f: {  	_ = 	snop  }
0x90: {  	s2 =	sld [smem:$0x3FC9]  }
0x91: {  	s18 =	sld [smem:$0x3FC8];
	(tm) =	ssettm $0x1  }
0x92: {  	s4 =	sld [smem:$0x3FFB];
	_ =	sdelay $0x3  }
0x93: {  	_ =	strace s4  }
0x94: {  	s4 =	sld [smem:$0x3FFC];
	_ =	sdelay $0x3  }
0x95: {  	_ =	strace s4  }
0x96: {  	s4 =	sld [smem:$0x3FFD];
	_ =	sdelay $0x3  }
0x97: {  	_ =	strace s4  }
0x98: {  	_ =	strace $0x8FFFFFFF  }
0x99: {  	s19 =	sld [smem:$0x3FDB];
	_ =	sdelay $0x1  }
0x9a: {  	s5 =	simm.s32 $_scs_section_size  }
0x9b: {  	s6 =	simm.s32 $_size__tile_overlayer_lowered;
	s7 =	simm.s32 $_tile_overlayer_lowered  }
0x9c: {  	s22 =	simm.s32 $0x1BFF;
	s21 =	sshll.u32 s7, $0x1;
	s4 =	sadd.s32 s5, s19  }
0x9d: {  	s8 =	simm.s32 $0x0;
	s20 =	sshll.u32 s6, $0x1;
	s6 =	sadd.s32 s21, s4  }
0x9e: {  	[timem:s8], [sflag:s22] =	dma.local [hbm:s6], s20  }
0x9f: {  	_ =	swait.ge [sflag:s22], s20  }
0xa0: {  	s5 =	ssub.s32 $0x0, s20;
	[sflag:s22] =	ssyncset.done $0x0  }
0xa1: {  	[sflag:s22] =	ssyncadd.s32 s5;
	_ =	sdelay $0x1  }
0xa2: {  	s23 =	simm.s32 $0x1B8B  }
0xa3: {  	_ =	swait.ge [sflag:s23], $0x1  }
0xa4: {  	[sflag:s23] =	ssyncset.done $0x0  }
0xa5: {  	s25 =	simm.s32 $0x1B8E;
	s24 =	sld [smem:$0x3FFE];
	[sflag:s23] =	ssyncadd.s32 $0xFFFFFFFF  }
0xa6: {  	s26 =	simm.s32 $execute0_lowered;
	[smem:$0x3FD2] =	sst s25  }
0xa7: {  	s6 =	sshll.u32 s26, $0x1;
	_ =	strace $0x80000046;
	[dreg:$0x1] =	wrdreg $0xFFFFFFFF  }
0xa8: {  	s28 =	simm.s32 $_size_execute0_lowered;
	s4 =	sadd.s32 s4, s6;
	[dreg:$0x0] =	wrdreg $0x0  }
0xa9: {  	s6 =	sshll.u32 s28, $0x1;
	[dreg:$0x2] =	wrdreg s4  }
0xaa: {  	[dreg:$0x3] =	wrdreg s6  }
0xab: {  	[dreg:$0x4] =	wrdreg $0xC0  }
0xac: {  	_ =	task [dreg:s8], $0x5FFFF  }
0xad: {  	[dreg:$0x1] =	wrdreg $0xFFFFFFFF  }
0xae: {  	[dreg:$0x0] =	wrdreg $0x60  }
0xaf: {  	[dreg:$0x2] =	wrdreg s2  }
0xb0: {  	[dreg:$0x3] =	wrdreg s18  }
0xb1: {  	[dreg:$0x4] =	wrdreg s24  }
0xb2: {  	[dreg:$0x5] =	wrdreg $0x9  }
0xb3: {  	_ =	task.clear_ibuf [dreg:s8], $0x6FFFF;
	_ =	strace $0x90000046  }
0xb4: {  	s29 =	simm.s32 $0x9;
	_ =	strace $0x80000048  }
0xb5: {  	_ =	swait.ge [sflag:s29], $0x1  }
0xb6: {  	[sflag:s29] =	ssyncadd.s32 $0xFFFFFFFF  }
0xb7: {  	_ =	strace $0x90000048  }
0xb8: {  	_ =	sfence  }
0xb9: {  	s30 =	sld [smem:$0x0];
	_ =	sdelay $0x2  }
0xba: {  	s31 =	sshll.u32 s1, $0xD;
	s1 =	sshrl.u32 s1, $0x2  }
0xbb: {  	s3 =	sand.u32 $0x4000, s31;
	s1 =	sadd.s32 s1, s30  }
0xbc: {  	s0 =	sor.u32 s3, s0;
	s1 =	sshll.u32 s1, $0x11  }
0xbd: {  	s0 =	sor.u32 s1, s0  }
0xbe: {  	s0 =	sadd.s32 $0x8F2B, s0  }
0xbf: {  	[sflag:s0] =	ssyncadd.remote.s32 $0x1  }
0xc0: {  	_ =	sfence.sel $0xFFFF  }
0xc1: {  	[dreg:$0x0] =	wrdreg $0xFFFFFFFF;
	(pc) =	sbr.abs _section_cstart, $3  }
0xc2: {  	[dreg:$0x1] =	wrdreg $0xFFFFFFFF  }
0xc3: {  	_ =	task.clear_ibuf [dreg:s8], $0x2FFFF;
	_ =	strace $0x9FFFFFFF  }
0xc4: {  	(tm) =	ssettm $0x7FFFFFFF  }
0xc5: {  	_ =	shalt  }
tec
execute0_lowered:
.L_overlay_start_1:
0x0: {  	(tag) =	ssettag $0x1  }
0x1: {  	s1 =	rddreg [dreg:$0x0]  }
0x2: {  	s0 =	stileid.u32;
	s11 =	rddreg [dreg:$0x1]  }
0x3: {  	s2 =	srdreg.scid;
	s5 =	rddreg [dreg:$0x2]  }
0x4: {  	s3 =	simm.s32 $0x0;
	s17 =	simm.s32 $0x3;
	s18 =	simm.s32 $0x0  }
0x5: {  	s4 =	sand.u32 $0x1, s2;
	s28 =	sshll.u32 s0, $0x1;
	s2 =	rddreg [dreg:$0x3]  }
0x6: {  	[smem:$0x7FF] =	sst s3;
	s8 =	sshll.u32 s0, $0x6;
	s7 =	sor.u32 s4, s28  }
0x7: {  	s12 =	sshll.u32 s0, $0x10;
	p0 =	sgt.u32 s0, $0x7;
	s6 =	sand.u32 $0x7, s7  }
0x8: {  	s8 =	sand.u32 $0x300, s8;
	s4 =	ssub.s32 $0x2, s4;
	s9 =	smul.u32 $0x32, s6  }
0x9: {  	_ =	strace $0x80000047;
	s8 =	sadd.s32 s8, s5;
	s10 =	sshrl.u32 s4, $0x1  }
0xa: {  	s7 =	sshll.u32 s7, $0x4;
	s10 =	ssub.s32 s4, s10;
	s29 =	sshrl.u32 s9, $0x4  }
0xb: {  	s13 =	sshll.u32 s6, $0xF;
	s4 =	sand.u32 $0xC0000, s12;
	s5 =	smul.u32 $0xC0000, s29  }
0xc: {  	s12 =	sand.u32 $0x40000, s12;
	s31 =	sand.u32 $0x70, s7;
	s14 =	sor.u32 $0x4000, s13  }
0xd: {  	s10 =	smax.u32 s10, $0x1;
	s7 =	sadd.s32 $0x2, s9;
	s30 =	sadd.s32 s4, s5  }
0xe: {  	s16 =	sadd.s32 s12, s5;
	s4 =	smov.u32 @p0 s12;
	s12 =	simm.s32 $0x1  }
0xf: {  	s15 =	sor.u32 s13, s30;
	s6 =	sor.u32 s14, s30;
	s13 =	sor.u32 s13, s16  }
0x10: {  	s14 =	sor.u32 s14, s16;
	s16 =	simm.s32 $0x400;
	s15 =	sshrl.u32 s15, $0x3  }
0x11: {  	s6 =	sshrl.u32 s6, $0x3;
	s13 =	sshrl.u32 s13, $0x3;
	s14 =	sshrl.u32 s14, $0x3  }
.Ltmp0:
0x12: {  	s5 =	sadd.s32 s1, s15;
	s6 =	sadd.s32 s1, s6;
	(pc) =	sbr.rel .LBB2_1-.Ltmp0, $4  }
0x13: {  	s13 =	sadd.s32 s11, s13;
	s14 =	sadd.s32 s11, s14;
	s15 =	sadd.s32 s31, s8  }
0x14: {  	s8 =	sadd.s32 $0x3, s9;
	s1 =	smov.u32 @p0 s11;
	s11 =	simm.s32 $0x4000  }
0x15: {  	s9 =	sadd.s32 $0x600, s15;
	s5 =	smov.u32 @p0 s13;
	s6 =	smov.u32 @p0 s14  }
0x16: {  	v0 =	vimm.f32 $0.0e+00;
	v1 =	vimm.f32 $1.000000000e+00;
	s13 =	simm.s32 $0x8000;
	s14 =	simm.s32 $0x2;
	s15 =	simm.s32 $0x80  }
.LBB2_8:
0x17: {  	s18 =	sadd.s32 $0x1, s18  }
0x18: {  	p0 =	sne.s32 s18, s10  }
.Ltmp1:
0x19: {  	_ = 	snop;
	(pc) =	sbr.rel @!p0 .LBB2_9-.Ltmp1, $4  }
0x1a: {  	[hbm4b:s9+s15] =	stream.strided.scatter [tilespmem:s13], [sflag:$0x3], $0x100, s16, s15, $0x38;
	[tilespmem:$0x8100] =	vst v63  }
0x1b: {  	_ =	swait.ge [sflag:s17], $0x100  }
0x1c: {  	[sflag:s17] =	ssyncset.done $0x0  }
0x1d: {  	[sflag:s17] =	ssyncadd.s32 $0xFFFFFF00  }
.LBB2_1:
0x1e: {  	[tilespmem:$0x8000] =	vst v0  }
0x1f: {  	[tilespmem:$0x8010] =	vst v0  }
0x20: {  	[tilespmem:$0x8020] =	vst v0  }
0x21: {  	[tilespmem:$0x8030] =	vst v0  }
0x22: {  	[tilespmem:$0x8040] =	vst v0  }
0x23: {  	[tilespmem:$0x8050] =	vst v0  }
0x24: {  	[tilespmem:$0x8060] =	vst v0  }
0x25: {  	[tilespmem:$0x8070] =	vst v0  }
0x26: {  	[tilespmem:$0x8080] =	vst v0  }
0x27: {  	[tilespmem:$0x8090] =	vst v0  }
0x28: {  	[tilespmem:$0x80A0] =	vst v0  }
0x29: {  	[tilespmem:$0x80B0] =	vst v0  }
0x2a: {  	[tilespmem:$0x80C0] =	vst v0  }
0x2b: {  	[tilespmem:$0x80D0] =	vst v0  }
0x2c: {  	[tilespmem:$0x80E0] =	vst v0  }
0x2d: {  	[tilespmem:$0x80F0] =	vst v0  }
0x2e: {  	[tilespmem:s3], [sflag:$0x1] =	stream.linear.gather [hbm4b:s5+s3], $0x4000, $0x38;
	[tilespmem:$0x8100] =	vst v63  }
0x2f: {  	s19 =	simm.s32 $0x0  }
0x30: {  	[tilespmem:s11], [sflag:$0x2] =	stream.linear.gather [hbm4b:s6+s3], $0x4000, $0x38;
	[tilespmem:$0x8100] =	vst v63  }
.LBB2_2:
0x31: {  	_ =	swait.ge [sflag:s12], $0x4000;
	s20 =	simm.s32 $0x0  }
0x32: {  	[sflag:s12] =	ssyncset.done $0x0;
	s21 =	sand.u32 $0x3000, s20;
	s20 =	sand.u32 $0x380, s20  }
0x33: {  	[sflag:s12] =	ssyncadd.s32 $0xFFFFC000;
	s20 =	sor.u32 s20, s21  }
0x34: {  	v2 =	vld [tilespmem:s20+$0x810]  }
0x35: {  	v3 =	vld [tilespmem:s20+$0x20]  }
0x36: {  	v4 =	vld [tilespmem:s20+$0x10]  }
0x37: {  	v5 =	vld [tilespmem:s20+$0x0]  }
0x38: {  	v6 =	vld [tilespmem:s20+$0x470]  }
0x39: {  	v7 =	vld [tilespmem:s20+$0x440]  }
0x3a: {  	v8 =	vld [tilespmem:s20+$0xC00]  }
0x3b: {  	v9 =	vld [tilespmem:s20+$0x860]  }
0x3c: {  	v10 =	vld [tilespmem:s20+$0x70]  }
0x3d: {  	v11 =	vld [tilespmem:s20+$0xC10]  }
0x3e: {  	v12 =	vld [tilespmem:s20+$0x60]  }
0x3f: {  	v13 =	vld [tilespmem:s20+$0x450]  }
0x40: {  	v16 =	vld [tilespmem:s20+$0x40]  }
0x41: {  	v18 =	vld [tilespmem:s20+$0x50]  }
0x42: {  	v19 =	vld [tilespmem:s20+$0x30]  }
0x43: {  	v21 =	vld [tilespmem:s20+$0x840]  }
0x44: {  	v23 =	vld [tilespmem:s20+$0x820];
	v2 =	vmul.f32 $2.560000000e+02, v2  }
0x45: {  	v24 =	vld [tilespmem:s20+$0x400];
	v3 =	vmul.f32 $2.560000000e+02, v3;
	v6 =	vmul.f32 $2.560000000e+02, v6  }
0x46: {  	v25 =	vld [tilespmem:s20+$0x410];
	v7 =	vmul.f32 $2.560000000e+02, v7;
	v8 =	vmul.f32 $2.560000000e+02, v8  }
0x47: {  	v26 =	vld [tilespmem:s20+$0x420];
	v9 =	vmul.f32 $2.560000000e+02, v9;
	v10 =	vmul.f32 $2.560000000e+02, v10  }
0x48: {  	v29 =	vld [tilespmem:s20+$0x460];
	v11 =	vmul.f32 $2.560000000e+02, v11;
	v13 =	vmul.f32 $2.560000000e+02, v13  }
0x49: {  	v28 =	vld [tilespmem:s20+$0x800];
	v12 =	vmul.f32 $2.560000000e+02, v12;
	v5 =	vmul.f32 $2.560000000e+02, v5  }
0x4a: {  	v22 =	vld [tilespmem:s20+$0x830];
	v4 =	vmul.f32 $2.560000000e+02, v4;
	v16 =	vmul.f32 $2.560000000e+02, v16  }
0x4b: {  	v20 =	vld [tilespmem:s20+$0x850];
	v18 =	vmul.f32 $2.560000000e+02, v18;
	v19 =	vmul.f32 $2.560000000e+02, v19  }
0x4c: {  	v24 =	vmul.f32 $2.560000000e+02, v24;
	v25 =	vmul.f32 $2.560000000e+02, v25  }
0x4d: {  	v52 =	vmul.f32 $2.560000000e+02, v26;
	v54 =	vmul.f32 $2.560000000e+02, v29  }
0x4e: {  	v55 =	vmul.f32 $2.560000000e+02, v23;
	v56 =	vmul.f32 $2.560000000e+02, v28  }
0x4f: {  	v57 =	vmul.f32 $2.560000000e+02, v22;
	v58 =	vmul.f32 $2.560000000e+02, v21  }
0x50: {  	v60 =	vmul.f32 $2.560000000e+02, v20;
	v2 =	vtrunc.f32 v2  }
0x51: {  	v14 =	vld [tilespmem:s20+$0xC20];
	v6 =	vtrunc.f32 v6;
	v7 =	vtrunc.f32 v7  }
0x52: {  	v15 =	vld [tilespmem:s20+$0xC30];
	v10 =	vtrunc.f32 v10;
	v5 =	vtrunc.f32 v5  }
0x53: {  	v17 =	vld [tilespmem:s20+$0xC50];
	v4 =	vtrunc.f32 v4;
	v5 =	vcvt.f32.s32 v5  }
0x54: {  	v27 =	vld [tilespmem:s20+$0x430];
	v3 =	vtrunc.f32 v3;
	v4 =	vcvt.f32.s32 v4  }
0x55: {  	v30 =	vld [tilespmem:s20+$0xC70];
	v19 =	vtrunc.f32 v19;
	v3 =	vcvt.f32.s32 v3  }
0x56: {  	v31 =	vld [tilespmem:s20+$0xC60];
	v16 =	vtrunc.f32 v16;
	v19 =	vcvt.f32.s32 v19  }
0x57: {  	v32 =	vld [tilespmem:s20+$0xC40];
	v18 =	vtrunc.f32 v18;
	v16 =	vcvt.f32.s32 v16  }
0x58: {  	v33 =	vld [tilespmem:s20+$0x870];
	v12 =	vtrunc.f32 v12;
	v18 =	vcvt.f32.s32 v18  }
0x59: {  	v24 =	vtrunc.f32 v24;
	v12 =	vcvt.f32.s32 v12;
	[tilespmem:v5+s13+$0x0] =	vst.idx.add.f32.msk $0xffff, v1  }
0x5a: {  	v25 =	vtrunc.f32 v25;
	v10 =	vcvt.f32.s32 v10;
	[tilespmem:v4+s13+$0x0] =	vst.idx.add.f32.msk $0xffff, v1  }
0x5b: {  	v5 =	vcvt.f32.s32 v24;
	v4 =	vmul.f32 $2.560000000e+02, v27;
	[tilespmem:v3+s13+$0x0] =	vst.idx.add.f32.msk $0xffff, v1  }
0x5c: {  	v53 =	vcvt.f32.s32 v25;
	v3 =	vtrunc.f32 v52;
	[tilespmem:v19+s13+$0x0] =	vst.idx.add.f32.msk $0xffff, v1  }
0x5d: {  	v4 =	vtrunc.f32 v4;
	v3 =	vcvt.f32.s32 v3;
	[tilespmem:v16+s13+$0x0] =	vst.idx.add.f32.msk $0xffff, v1  }
0x5e: {  	v9 =	vtrunc.f32 v9;
	v4 =	vcvt.f32.s32 v4;
	[tilespmem:v18+s13+$0x0] =	vst.idx.add.f32.msk $0xffff, v1  }
0x5f: {  	v13 =	vtrunc.f32 v13;
	v7 =	vcvt.f32.s32 v7;
	[tilespmem:v12+s13+$0x0] =	vst.idx.add.f32.msk $0xffff, v1  }
0x60: {  	v13 =	vcvt.f32.s32 v13;
	v16 =	vtrunc.f32 v54;
	[tilespmem:v10+s13+$0x0] =	vst.idx.add.f32.msk $0xffff, v1  }
0x61: {  	v8 =	vtrunc.f32 v8;
	v16 =	vcvt.f32.s32 v16;
	[tilespmem:v5+s13+$0x0] =	vst.idx.add.f32.msk $0xffff, v1  }
0x62: {  	v6 =	vcvt.f32.s32 v6;
	v5 =	vtrunc.f32 v56;
	[tilespmem:v53+s13+$0x0] =	vst.idx.add.f32.msk $0xffff, v1  }
0x63: {  	v18 =	vtrunc.f32 v55;
	v5 =	vcvt.f32.s32 v5;
	[tilespmem:v3+s13+$0x0] =	vst.idx.add.f32.msk $0xffff, v1  }
0x64: {  	v2 =	vcvt.f32.s32 v2;
	v59 =	vcvt.f32.s32 v18;
	[tilespmem:v4+s13+$0x0] =	vst.idx.add.f32.msk $0xffff, v1  }
0x65: {  	v12 =	vtrunc.f32 v60;
	v3 =	vtrunc.f32 v57;
	[tilespmem:v7+s13+$0x0] =	vst.idx.add.f32.msk $0xffff, v1  }
0x66: {  	v4 =	vtrunc.f32 v58;
	v3 =	vcvt.f32.s32 v3;
	[tilespmem:v13+s13+$0x0] =	vst.idx.add.f32.msk $0xffff, v1  }
0x67: {  	v7 =	vmul.f32 $2.560000000e+02, v33;
	v4 =	vcvt.f32.s32 v4;
	[tilespmem:v16+s13+$0x0] =	vst.idx.add.f32.msk $0xffff, v1  }
0x68: {  	v62 =	vtrunc.f32 v11;
	v12 =	vcvt.f32.s32 v12;
	[tilespmem:v6+s13+$0x0] =	vst.idx.add.f32.msk $0xffff, v1  }
0x69: {  	v6 =	vtrunc.f32 v7;
	v7 =	vcvt.f32.s32 v9;
	[tilespmem:v5+s13+$0x0] =	vst.idx.add.f32.msk $0xffff, v1  }
0x6a: {  	v5 =	vmul.f32 $2.560000000e+02, v14;
	v6 =	vcvt.f32.s32 v6;
	[tilespmem:v2+s13+$0x0] =	vst.idx.add.f32.msk $0xffff, v1  }
0x6b: {  	v8 =	vcvt.f32.s32 v8;
	v2 =	vmul.f32 $2.560000000e+02, v15;
	[tilespmem:v59+s13+$0x0] =	vst.idx.add.f32.msk $0xffff, v1  }
0x6c: {  	v9 =	vcvt.f32.s32 v62;
	v5 =	vtrunc.f32 v5;
	[tilespmem:v3+s13+$0x0] =	vst.idx.add.f32.msk $0xffff, v1  }
0x6d: {  	v2 =	vtrunc.f32 v2;
	v3 =	vcvt.f32.s32 v5;
	[tilespmem:v4+s13+$0x0] =	vst.idx.add.f32.msk $0xffff, v1  }
0x6e: {  	v61 =	vmul.f32 $2.560000000e+02, v32;
	v2 =	vcvt.f32.s32 v2;
	[tilespmem:v12+s13+$0x0] =	vst.idx.add.f32.msk $0xffff, v1  }
0x6f: {  	[tilespmem:v7+s13+$0x0] =	vst.idx.add.f32.msk $0xffff, v1  }
0x70: {  	v5 =	vmul.f32 $2.560000000e+02, v17;
	v4 =	vtrunc.f32 v61;
	[tilespmem:v6+s13+$0x0] =	vst.idx.add.f32.msk $0xffff, v1  }
0x71: {  	v63 =	vcvt.f32.s32 v4;
	v4 =	vmul.f32 $2.560000000e+02, v31;
	[tilespmem:v8+s13+$0x0] =	vst.idx.add.f32.msk $0xffff, v1  }
0x72: {  	v5 =	vtrunc.f32 v5;
	v6 =	vmul.f32 $2.560000000e+02, v30;
	[tilespmem:v9+s13+$0x0] =	vst.idx.add.f32.msk $0xffff, v1  }
0x73: {  	v5 =	vcvt.f32.s32 v5;
	v4 =	vtrunc.f32 v4;
	[tilespmem:v3+s13+$0x0] =	vst.idx.add.f32.msk $0xffff, v1  }
0x74: {  	v3 =	vtrunc.f32 v6;
	[tilespmem:v2+s13+$0x0] =	vst.idx.add.f32.msk $0xffff, v1;
	v2 =	vcvt.f32.s32 v4  }
0x75: {  	v4 =	vcvt.f32.s32 v3;
	_ =	sdelay $0x1  }
0x76: {  	s23 =	simm.s32 $0x200;
	s20 =	simm.s32 $0x80;
	[tilespmem:v63+s13+$0x0] =	vst.idx.add.f32.msk $0xffff, v1  }
.LBB2_3:
0x77: {  	s21 =	smov.u32 s23  }
0x78: {  	s22 =	sand.u32 $0x3000, s23;
	s24 =	sand.u32 $0x380, s20;
	[tilespmem:v5+s13+$0x0] =	vst.idx.add.f32.msk $0xffff, v1;
	s21 =	sadd.s32 $0x200, s23  }
0x79: {  	p0 =	sne.s32 s23, $0x3E00;
	s22 =	sor.u32 s24, s22;
	[tilespmem:v2+s13+$0x0] =	vst.idx.add.f32.msk $0xffff, v1  }
0x7a: {  	[tilespmem:v4+s13+$0x0] =	vst.idx.add.f32.msk $0xffff, v1  }
0x7b: {  	v2 =	vld [tilespmem:s22+$0x810]  }
0x7c: {  	v3 =	vld [tilespmem:s22+$0x20]  }
0x7d: {  	v10 =	vld [tilespmem:s22+$0x10]  }
0x7e: {  	v11 =	vld [tilespmem:s22+$0x0]  }
0x7f: {  	v4 =	vld [tilespmem:s22+$0x470]  }
0x80: {  	v5 =	vld [tilespmem:s22+$0x440];
	v2 =	vmul.f32 $2.560000000e+02, v2  }
0x81: {  	v6 =	vld [tilespmem:s22+$0xC00]  }
0x82: {  	v7 =	vld [tilespmem:s22+$0x860];
	v2 =	vtrunc.f32 v2  }
0x83: {  	v8 =	vld [tilespmem:s22+$0x70]  }
0x84: {  	v13 =	vmul.f32 $2.560000000e+02, v3;
	v12 =	vld [tilespmem:s22+$0xC10];
	v3 =	vmul.f32 $2.560000000e+02, v4  }
0x85: {  	v2 =	vcvt.f32.s32 v2;
	v14 =	vld [tilespmem:s22+$0x60];
	v4 =	vmul.f32 $2.560000000e+02, v5  }
0x86: {  	v15 =	vld [tilespmem:s22+$0x450];
	v3 =	vtrunc.f32 v3;
	v9 =	vmul.f32 $2.560000000e+02, v6  }
0x87: {  	v5 =	vld [tilespmem:s22+$0xC20];
	v16 =	vtrunc.f32 v4;
	v7 =	vmul.f32 $2.560000000e+02, v7  }
0x88: {  	v4 =	vcvt.f32.s32 v3;
	v6 =	vld [tilespmem:s22+$0xC30];
	v17 =	vmul.f32 $2.560000000e+02, v8  }
0x89: {  	v3 =	vtrunc.f32 v9;
	v18 =	vld [tilespmem:s22+$0x40];
	v8 =	vtrunc.f32 v7  }
0x8a: {  	v7 =	vmul.f32 $2.560000000e+02, v12;
	v9 =	vld [tilespmem:s22+$0xC50];
	v17 =	vtrunc.f32 v17  }
0x8b: {  	v12 =	vld [tilespmem:s22+$0x50];
	v17 =	vcvt.f32.s32 v17;
	v15 =	vmul.f32 $2.560000000e+02, v15  }
0x8c: {  	v16 =	vcvt.f32.s32 v16;
	v14 =	vmul.f32 $2.560000000e+02, v14;
	v19 =	vld [tilespmem:s22+$0x30]  }
0x8d: {  	v3 =	vcvt.f32.s32 v3;
	v20 =	vld [tilespmem:s22+$0x850];
	v15 =	vtrunc.f32 v15  }
0x8e: {  	v11 =	vmul.f32 $2.560000000e+02, v11;
	v14 =	vtrunc.f32 v14;
	v21 =	vld [tilespmem:s22+$0x840]  }
0x8f: {  	v10 =	vmul.f32 $2.560000000e+02, v10;
	v14 =	vcvt.f32.s32 v14;
	v22 =	vld [tilespmem:s22+$0x830]  }
0x90: {  	v11 =	vtrunc.f32 v11;
	v15 =	vcvt.f32.s32 v15;
	v23 =	vld [tilespmem:s22+$0x820]  }
0x91: {  	v11 =	vcvt.f32.s32 v11;
	v18 =	vmul.f32 $2.560000000e+02, v18;
	v24 =	vld [tilespmem:s22+$0x400]  }
0x92: {  	v10 =	vtrunc.f32 v10;
	v12 =	vmul.f32 $2.560000000e+02, v12;
	v25 =	vld [tilespmem:s22+$0x410]  }
0x93: {  	v13 =	vtrunc.f32 v13;
	v18 =	vtrunc.f32 v18;
	v26 =	vld [tilespmem:s22+$0x420]  }
0x94: {  	v19 =	vmul.f32 $2.560000000e+02, v19;
	v12 =	vtrunc.f32 v12;
	v27 =	vld [tilespmem:s22+$0x430]  }
0x95: {  	v18 =	vcvt.f32.s32 v18;
	v28 =	vld [tilespmem:s22+$0x800];
	v23 =	vmul.f32 $2.560000000e+02, v23  }
0x96: {  	v19 =	vtrunc.f32 v19;
	v29 =	vld [tilespmem:s22+$0x460];
	v24 =	vmul.f32 $2.560000000e+02, v24  }
0x97: {  	v10 =	vcvt.f32.s32 v10;
	v30 =	vld [tilespmem:s22+$0xC70];
	v25 =	vmul.f32 $2.560000000e+02, v25  }
0x98: {  	v13 =	vcvt.f32.s32 v13;
	v31 =	vld [tilespmem:s22+$0xC60];
	v24 =	vtrunc.f32 v24  }
0x99: {  	v26 =	vmul.f32 $2.560000000e+02, v26;
	v32 =	vld [tilespmem:s22+$0xC40];
	v24 =	vcvt.f32.s32 v24  }
0x9a: {  	v19 =	vcvt.f32.s32 v19;
	v27 =	vmul.f32 $2.560000000e+02, v27;
	v33 =	vld [tilespmem:s22+$0x870]  }
0x9b: {  	v12 =	vcvt.f32.s32 v12;
	[tilespmem:v11+s13+$0x0] =	vst.idx.add.f32.msk $0xffff, v1;
	v11 =	vtrunc.f32 v26  }
0x9c: {  	v25 =	vtrunc.f32 v25;
	v26 =	vtrunc.f32 v27  }
0x9d: {  	[tilespmem:v10+s13+$0x0] =	vst.idx.add.f32.msk $0xffff, v1;
	v10 =	vcvt.f32.s32 v26;
	v26 =	vmul.f32 $2.560000000e+02, v29  }
0x9e: {  	v11 =	vcvt.f32.s32 v11;
	[tilespmem:v13+s13+$0x0] =	vst.idx.add.f32.msk $0xffff, v1;
	v13 =	vmul.f32 $2.560000000e+02, v28  }
0x9f: {  	v22 =	vmul.f32 $2.560000000e+02, v22;
	v26 =	vtrunc.f32 v26  }
0xa0: {  	v25 =	vcvt.f32.s32 v25;
	[tilespmem:v19+s13+$0x0] =	vst.idx.add.f32.msk $0xffff, v1;
	v13 =	vtrunc.f32 v13  }
0xa1: {  	v19 =	vmul.f32 $2.560000000e+02, v21;
	[tilespmem:v18+s13+$0x0] =	vst.idx.add.f32.msk $0xffff, v1;
	v18 =	vtrunc.f32 v22  }
0xa2: {  	[tilespmem:v12+s13+$0x0] =	vst.idx.add.f32.msk $0xffff, v1;
	v12 =	vcvt.f32.s32 v13;
	v13 =	vmul.f32 $2.560000000e+02, v32  }
0xa3: {  	v21 =	vcvt.f32.s32 v26;
	[tilespmem:v14+s13+$0x0] =	vst.idx.add.f32.msk $0xffff, v1;
	v14 =	vtrunc.f32 v23  }
0xa4: {  	[tilespmem:v17+s13+$0x0] =	vst.idx.add.f32.msk $0xffff, v1;
	v14 =	vcvt.f32.s32 v14;
	v17 =	vtrunc.f32 v19  }
0xa5: {  	v13 =	vtrunc.f32 v13;
	v19 =	vmul.f32 $2.560000000e+02, v31;
	[tilespmem:v24+s13+$0x0] =	vst.idx.add.f32.msk $0xffff, v1  }
0xa6: {  	v20 =	vmul.f32 $2.560000000e+02, v20;
	v22 =	vmul.f32 $2.560000000e+02, v33;
	[tilespmem:v25+s13+$0x0] =	vst.idx.add.f32.msk $0xffff, v1  }
0xa7: {  	[tilespmem:v11+s13+$0x0] =	vst.idx.add.f32.msk $0xffff, v1;
	v11 =	vtrunc.f32 v19;
	v19 =	vmul.f32 $2.560000000e+02, v30  }
0xa8: {  	[tilespmem:v10+s13+$0x0] =	vst.idx.add.f32.msk $0xffff, v1;
	v10 =	vtrunc.f32 v20;
	v20 =	vtrunc.f32 v22  }
0xa9: {  	v18 =	vcvt.f32.s32 v18;
	[tilespmem:v16+s13+$0x0] =	vst.idx.add.f32.msk $0xffff, v1;
	v16 =	vtrunc.f32 v19  }
0xaa: {  	v5 =	vmul.f32 $2.560000000e+02, v5;
	v17 =	vcvt.f32.s32 v17;
	[tilespmem:v15+s13+$0x0] =	vst.idx.add.f32.msk $0xffff, v1  }
0xab: {  	v6 =	vmul.f32 $2.560000000e+02, v6;
	v10 =	vcvt.f32.s32 v10;
	[tilespmem:v21+s13+$0x0] =	vst.idx.add.f32.msk $0xffff, v1  }
0xac: {  	v8 =	vcvt.f32.s32 v8;
	[tilespmem:v4+s13+$0x0] =	vst.idx.add.f32.msk $0xffff, v1;
	v4 =	vmul.f32 $2.560000000e+02, v9  }
0xad: {  	v6 =	vtrunc.f32 v6;
	v9 =	vcvt.f32.s32 v20;
	[tilespmem:v12+s13+$0x0] =	vst.idx.add.f32.msk $0xffff, v1  }
0xae: {  	v7 =	vtrunc.f32 v7;
	[tilespmem:v2+s13+$0x0] =	vst.idx.add.f32.msk $0xffff, v1;
	v2 =	vtrunc.f32 v4  }
0xaf: {  	v7 =	vcvt.f32.s32 v7;
	v4 =	vtrunc.f32 v5;
	[tilespmem:v14+s13+$0x0] =	vst.idx.add.f32.msk $0xffff, v1  }
0xb0: {  	v12 =	vcvt.f32.s32 v4;
	[tilespmem:v18+s13+$0x0] =	vst.idx.add.f32.msk $0xffff, v1  }
0xb1: {  	v6 =	vcvt.f32.s32 v6;
	[tilespmem:v17+s13+$0x0] =	vst.idx.add.f32.msk $0xffff, v1  }
0xb2: {  	v13 =	vcvt.f32.s32 v13;
	[tilespmem:v10+s13+$0x0] =	vst.idx.add.f32.msk $0xffff, v1  }
0xb3: {  	v5 =	vcvt.f32.s32 v2;
	[tilespmem:v8+s13+$0x0] =	vst.idx.add.f32.msk $0xffff, v1  }
0xb4: {  	v2 =	vcvt.f32.s32 v11;
	[tilespmem:v9+s13+$0x0] =	vst.idx.add.f32.msk $0xffff, v1  }
.Ltmp2:
0xb5: {  	v4 =	vcvt.f32.s32 v16;
	[tilespmem:v3+s13+$0x0] =	vst.idx.add.f32.msk $0xffff, v1;
	(pc) =	sbr.rel @p0 .LBB2_3-.Ltmp2, $4  }
0xb6: {  	[tilespmem:v7+s13+$0x0] =	vst.idx.add.f32.msk $0xffff, v1  }
0xb7: {  	[tilespmem:v12+s13+$0x0] =	vst.idx.add.f32.msk $0xffff, v1  }
0xb8: {  	[tilespmem:v6+s13+$0x0] =	vst.idx.add.f32.msk $0xffff, v1  }
0xb9: {  	s20 =	sadd.s32 $0x80, s20;
	s23 =	smov.u32 s21;
	[tilespmem:v13+s13+$0x0] =	vst.idx.add.f32.msk $0xffff, v1  }
0xba: {  	s20 =	sshll.u32 s19, $0x1;
	p0 =	seq.s32 s19, $0x18  }
0xbb: {  	s21 =	sadd.s32 @!p0 s20, s7  }
0xbc: {  	s22 =	sshrl.u32 @!p0 s21, $0x4  }
0xbd: {  	s22 =	smul.u32 @!p0 $0xC0000, s22  }
0xbe: {  	s21 =	sshll.u32 @!p0 s21, $0xE  }
0xbf: {  	s21 =	sand.u32 @!p0 $0x38000, s21;
	s22 =	sadd.s32 @!p0 s4, s22  }
0xc0: {  	[tilespmem:v5+s13+$0x0] =	vst.idx.add.f32.msk $0xffff, v1;
	s21 =	sor.u32 @!p0 s21, s22  }
0xc1: {  	[tilespmem:v2+s13+$0x0] =	vst.idx.add.f32.msk $0xffff, v1;
	s21 =	sshrl.u32 @!p0 s21, $0x3  }
0xc2: {  	[tilespmem:v4+s13+$0x0] =	vst.idx.add.f32.msk $0xffff, v1;
	s22 =	simm.s32 @!p0 $0x0;
	s21 =	sadd.s32 @!p0 s1, s21  }
0xc3: {  	[tilespmem:s22], [sflag:$0x1] =	stream.linear.gather @!p0 [hbm4b:s21+s22], $0x4000, $0x38;
	[tilespmem:$0x8100] =	vst v63  }
0xc4: {  	s30 =	simm.s32 $0x0;
	_ =	swait.ge [sflag:s14], $0x4000  }
0xc5: {  	s31 =	sand.u32 $0x3000, s30;
	s21 =	sand.u32 $0x380, s30;
	[sflag:s14] =	ssyncset.done $0x0  }
0xc6: {  	s21 =	sor.u32 s21, s31;
	[sflag:s14] =	ssyncadd.s32 $0xFFFFC000  }
0xc7: {  	v2 =	vld [tilespmem:s21+$0x4810]  }
0xc8: {  	v3 =	vld [tilespmem:s21+$0x4020]  }
0xc9: {  	v4 =	vld [tilespmem:s21+$0x4010]  }
0xca: {  	v5 =	vld [tilespmem:s21+$0x4000]  }
0xcb: {  	v6 =	vld [tilespmem:s21+$0x4470]  }
0xcc: {  	v7 =	vld [tilespmem:s21+$0x4440]  }
0xcd: {  	v8 =	vld [tilespmem:s21+$0x4C00]  }
0xce: {  	v9 =	vld [tilespmem:s21+$0x4860]  }
0xcf: {  	v10 =	vld [tilespmem:s21+$0x4070]  }
0xd0: {  	v11 =	vld [tilespmem:s21+$0x4C10]  }
0xd1: {  	v12 =	vld [tilespmem:s21+$0x4060]  }
0xd2: {  	v13 =	vld [tilespmem:s21+$0x4450]  }
0xd3: {  	v16 =	vld [tilespmem:s21+$0x4040]  }
0xd4: {  	v18 =	vld [tilespmem:s21+$0x4050]  }
0xd5: {  	v19 =	vld [tilespmem:s21+$0x4030]  }
0xd6: {  	v20 =	vld [tilespmem:s21+$0x4850]  }
0xd7: {  	v22 =	vld [tilespmem:s21+$0x4830]  }
0xd8: {  	v23 =	vld [tilespmem:s21+$0x4820];
	v2 =	vmul.f32 $2.560000000e+02, v2;
	v3 =	vmul.f32 $2.560000000e+02, v3  }
0xd9: {  	v24 =	vld [tilespmem:s21+$0x4400];
	v6 =	vmul.f32 $2.560000000e+02, v6;
	v7 =	vmul.f32 $2.560000000e+02, v7  }
0xda: {  	v25 =	vld [tilespmem:s21+$0x4410];
	v8 =	vmul.f32 $2.560000000e+02, v8;
	v9 =	vmul.f32 $2.560000000e+02, v9  }
0xdb: {  	v26 =	vld [tilespmem:s21+$0x4420];
	v10 =	vmul.f32 $2.560000000e+02, v10;
	v11 =	vmul.f32 $2.560000000e+02, v11  }
0xdc: {  	v29 =	vld [tilespmem:s21+$0x4460];
	v13 =	vmul.f32 $2.560000000e+02, v13;
	v12 =	vmul.f32 $2.560000000e+02, v12  }
0xdd: {  	v28 =	vld [tilespmem:s21+$0x4800];
	v5 =	vmul.f32 $2.560000000e+02, v5;
	v4 =	vmul.f32 $2.560000000e+02, v4  }
0xde: {  	v21 =	vld [tilespmem:s21+$0x4840];
	v16 =	vmul.f32 $2.560000000e+02, v16;
	v18 =	vmul.f32 $2.560000000e+02, v18  }
0xdf: {  	v32 =	vld [tilespmem:s21+$0x4C40];
	v19 =	vmul.f32 $2.560000000e+02, v19;
	v24 =	vmul.f32 $2.560000000e+02, v24  }
0xe0: {  	v25 =	vmul.f32 $2.560000000e+02, v25;
	v52 =	vmul.f32 $2.560000000e+02, v26  }
0xe1: {  	v54 =	vmul.f32 $2.560000000e+02, v29;
	v55 =	vmul.f32 $2.560000000e+02, v23  }
0xe2: {  	v56 =	vmul.f32 $2.560000000e+02, v28;
	v57 =	vmul.f32 $2.560000000e+02, v22  }
0xe3: {  	v58 =	vmul.f32 $2.560000000e+02, v21;
	v60 =	vmul.f32 $2.560000000e+02, v20  }
0xe4: {  	v61 =	vmul.f32 $2.560000000e+02, v32;
	v2 =	vtrunc.f32 v2  }
0xe5: {  	v6 =	vtrunc.f32 v6;
	v7 =	vtrunc.f32 v7  }
0xe6: {  	v14 =	vld [tilespmem:s21+$0x4C20];
	v10 =	vtrunc.f32 v10;
	v5 =	vtrunc.f32 v5  }
0xe7: {  	v15 =	vld [tilespmem:s21+$0x4C30];
	v4 =	vtrunc.f32 v4;
	v5 =	vcvt.f32.s32 v5  }
0xe8: {  	v17 =	vld [tilespmem:s21+$0x4C50];
	v3 =	vtrunc.f32 v3;
	v4 =	vcvt.f32.s32 v4  }
0xe9: {  	v27 =	vld [tilespmem:s21+$0x4430];
	v19 =	vtrunc.f32 v19;
	v3 =	vcvt.f32.s32 v3  }
0xea: {  	v30 =	vld [tilespmem:s21+$0x4C70];
	v16 =	vtrunc.f32 v16;
	v19 =	vcvt.f32.s32 v19  }
0xeb: {  	v31 =	vld [tilespmem:s21+$0x4C60];
	v18 =	vtrunc.f32 v18;
	v16 =	vcvt.f32.s32 v16  }
0xec: {  	v33 =	vld [tilespmem:s21+$0x4870];
	v12 =	vtrunc.f32 v12;
	v18 =	vcvt.f32.s32 v18  }
0xed: {  	v24 =	vtrunc.f32 v24;
	v12 =	vcvt.f32.s32 v12;
	[tilespmem:v5+s13+$0x0] =	vst.idx.add.f32.msk $0xffff, v1  }
0xee: {  	v25 =	vtrunc.f32 v25;
	v10 =	vcvt.f32.s32 v10;
	[tilespmem:v4+s13+$0x0] =	vst.idx.add.f32.msk $0xffff, v1  }
0xef: {  	v5 =	vcvt.f32.s32 v24;
	v4 =	vmul.f32 $2.560000000e+02, v27;
	[tilespmem:v3+s13+$0x0] =	vst.idx.add.f32.msk $0xffff, v1  }
0xf0: {  	v53 =	vcvt.f32.s32 v25;
	v3 =	vtrunc.f32 v52;
	[tilespmem:v19+s13+$0x0] =	vst.idx.add.f32.msk $0xffff, v1  }
0xf1: {  	v4 =	vtrunc.f32 v4;
	v3 =	vcvt.f32.s32 v3;
	[tilespmem:v16+s13+$0x0] =	vst.idx.add.f32.msk $0xffff, v1  }
0xf2: {  	v9 =	vtrunc.f32 v9;
	v4 =	vcvt.f32.s32 v4;
	[tilespmem:v18+s13+$0x0] =	vst.idx.add.f32.msk $0xffff, v1  }
0xf3: {  	v13 =	vtrunc.f32 v13;
	v7 =	vcvt.f32.s32 v7;
	[tilespmem:v12+s13+$0x0] =	vst.idx.add.f32.msk $0xffff, v1  }
0xf4: {  	v13 =	vcvt.f32.s32 v13;
	v16 =	vtrunc.f32 v54;
	[tilespmem:v10+s13+$0x0] =	vst.idx.add.f32.msk $0xffff, v1  }
0xf5: {  	v8 =	vtrunc.f32 v8;
	v16 =	vcvt.f32.s32 v16;
	[tilespmem:v5+s13+$0x0] =	vst.idx.add.f32.msk $0xffff, v1  }
0xf6: {  	v6 =	vcvt.f32.s32 v6;
	v5 =	vtrunc.f32 v56;
	[tilespmem:v53+s13+$0x0] =	vst.idx.add.f32.msk $0xffff, v1  }
0xf7: {  	v18 =	vtrunc.f32 v55;
	v5 =	vcvt.f32.s32 v5;
	[tilespmem:v3+s13+$0x0] =	vst.idx.add.f32.msk $0xffff, v1  }
0xf8: {  	v2 =	vcvt.f32.s32 v2;
	v59 =	vcvt.f32.s32 v18;
	[tilespmem:v4+s13+$0x0] =	vst.idx.add.f32.msk $0xffff, v1  }
0xf9: {  	v12 =	vtrunc.f32 v60;
	v3 =	vtrunc.f32 v57;
	[tilespmem:v7+s13+$0x0] =	vst.idx.add.f32.msk $0xffff, v1  }
0xfa: {  	v4 =	vtrunc.f32 v58;
	v3 =	vcvt.f32.s32 v3;
	[tilespmem:v13+s13+$0x0] =	vst.idx.add.f32.msk $0xffff, v1  }
0xfb: {  	v7 =	vmul.f32 $2.560000000e+02, v33;
	v4 =	vcvt.f32.s32 v4;
	[tilespmem:v16+s13+$0x0] =	vst.idx.add.f32.msk $0xffff, v1  }
0xfc: {  	v62 =	vtrunc.f32 v11;
	v12 =	vcvt.f32.s32 v12;
	[tilespmem:v6+s13+$0x0] =	vst.idx.add.f32.msk $0xffff, v1  }
0xfd: {  	v6 =	vtrunc.f32 v7;
	v7 =	vcvt.f32.s32 v9;
	[tilespmem:v5+s13+$0x0] =	vst.idx.add.f32.msk $0xffff, v1  }
0xfe: {  	v5 =	vmul.f32 $2.560000000e+02, v14;
	v6 =	vcvt.f32.s32 v6;
	[tilespmem:v2+s13+$0x0] =	vst.idx.add.f32.msk $0xffff, v1  }
0xff: {  	v8 =	vcvt.f32.s32 v8;
	v2 =	vmul.f32 $2.560000000e+02, v15;
	[tilespmem:v59+s13+$0x0] =	vst.idx.add.f32.msk $0xffff, v1  }
0x100: {  	v9 =	vcvt.f32.s32 v62;
	v5 =	vtrunc.f32 v5;
	[tilespmem:v3+s13+$0x0] =	vst.idx.add.f32.msk $0xffff, v1  }
0x101: {  	v2 =	vtrunc.f32 v2;
	v3 =	vcvt.f32.s32 v5;
	[tilespmem:v4+s13+$0x0] =	vst.idx.add.f32.msk $0xffff, v1  }
0x102: {  	v2 =	vcvt.f32.s32 v2;
	[tilespmem:v12+s13+$0x0] =	vst.idx.add.f32.msk $0xffff, v1  }
0x103: {  	v5 =	vmul.f32 $2.560000000e+02, v17;
	v4 =	vtrunc.f32 v61;
	[tilespmem:v7+s13+$0x0] =	vst.idx.add.f32.msk $0xffff, v1  }
0x104: {  	v63 =	vcvt.f32.s32 v4;
	v4 =	vmul.f32 $2.560000000e+02, v31;
	[tilespmem:v6+s13+$0x0] =	vst.idx.add.f32.msk $0xffff, v1  }
0x105: {  	v6 =	vmul.f32 $2.560000000e+02, v30;
	[tilespmem:v8+s13+$0x0] =	vst.idx.add.f32.msk $0xffff, v1  }
0x106: {  	v7 =	vtrunc.f32 v4;
	v4 =	vtrunc.f32 v5;
	[tilespmem:v9+s13+$0x0] =	vst.idx.add.f32.msk $0xffff, v1  }
0x107: {  	v4 =	vcvt.f32.s32 v4;
	[tilespmem:v3+s13+$0x0] =	vst.idx.add.f32.msk $0xffff, v1  }
0x108: {  	v3 =	vtrunc.f32 v6;
	[tilespmem:v2+s13+$0x0] =	vst.idx.add.f32.msk $0xffff, v1;
	v2 =	vcvt.f32.s32 v7  }
0x109: {  	v5 =	vcvt.f32.s32 v3;
	_ =	sdelay $0x1  }
0x10a: {  	s24 =	simm.s32 $0x200;
	s21 =	simm.s32 $0x80;
	[tilespmem:v63+s13+$0x0] =	vst.idx.add.f32.msk $0xffff, v1  }
.LBB2_5:
0x10b: {  	s22 =	smov.u32 s24  }
0x10c: {  	s23 =	sand.u32 $0x3000, s24;
	s25 =	sand.u32 $0x380, s21;
	[tilespmem:v4+s13+$0x0] =	vst.idx.add.f32.msk $0xffff, v1;
	s22 =	sadd.s32 $0x200, s24  }
0x10d: {  	p1 =	sne.s32 s24, $0x3E00;
	s23 =	sor.u32 s25, s23;
	[tilespmem:v2+s13+$0x0] =	vst.idx.add.f32.msk $0xffff, v1  }
0x10e: {  	[tilespmem:v5+s13+$0x0] =	vst.idx.add.f32.msk $0xffff, v1  }
0x10f: {  	v2 =	vld [tilespmem:s23+$0x4810]  }
0x110: {  	v3 =	vld [tilespmem:s23+$0x4020]  }
0x111: {  	v10 =	vld [tilespmem:s23+$0x4010]  }
0x112: {  	v11 =	vld [tilespmem:s23+$0x4000]  }
0x113: {  	v4 =	vld [tilespmem:s23+$0x4470]  }
0x114: {  	v5 =	vld [tilespmem:s23+$0x4440];
	v2 =	vmul.f32 $2.560000000e+02, v2  }
0x115: {  	v6 =	vld [tilespmem:s23+$0x4C00]  }
0x116: {  	v7 =	vld [tilespmem:s23+$0x4860];
	v2 =	vtrunc.f32 v2  }
0x117: {  	v8 =	vld [tilespmem:s23+$0x4070]  }
0x118: {  	v13 =	vmul.f32 $2.560000000e+02, v3;
	v12 =	vld [tilespmem:s23+$0x4C10];
	v3 =	vmul.f32 $2.560000000e+02, v4  }
0x119: {  	v2 =	vcvt.f32.s32 v2;
	v14 =	vld [tilespmem:s23+$0x4060];
	v4 =	vmul.f32 $2.560000000e+02, v5  }
0x11a: {  	v15 =	vld [tilespmem:s23+$0x4450];
	v3 =	vtrunc.f32 v3;
	v9 =	vmul.f32 $2.560000000e+02, v6  }
0x11b: {  	v5 =	vld [tilespmem:s23+$0x4C20];
	v16 =	vtrunc.f32 v4;
	v7 =	vmul.f32 $2.560000000e+02, v7  }
0x11c: {  	v4 =	vcvt.f32.s32 v3;
	v6 =	vld [tilespmem:s23+$0x4C30];
	v17 =	vmul.f32 $2.560000000e+02, v8  }
0x11d: {  	v3 =	vtrunc.f32 v9;
	v18 =	vld [tilespmem:s23+$0x4040];
	v8 =	vtrunc.f32 v7  }
0x11e: {  	v7 =	vmul.f32 $2.560000000e+02, v12;
	v9 =	vld [tilespmem:s23+$0x4C50];
	v17 =	vtrunc.f32 v17  }
0x11f: {  	v12 =	vld [tilespmem:s23+$0x4050];
	v17 =	vcvt.f32.s32 v17;
	v15 =	vmul.f32 $2.560000000e+02, v15  }
0x120: {  	v16 =	vcvt.f32.s32 v16;
	v14 =	vmul.f32 $2.560000000e+02, v14;
	v19 =	vld [tilespmem:s23+$0x4030]  }
0x121: {  	v3 =	vcvt.f32.s32 v3;
	v20 =	vld [tilespmem:s23+$0x4850];
	v15 =	vtrunc.f32 v15  }
0x122: {  	v11 =	vmul.f32 $2.560000000e+02, v11;
	v14 =	vtrunc.f32 v14;
	v21 =	vld [tilespmem:s23+$0x4840]  }
0x123: {  	v10 =	vmul.f32 $2.560000000e+02, v10;
	v14 =	vcvt.f32.s32 v14;
	v22 =	vld [tilespmem:s23+$0x4830]  }
0x124: {  	v11 =	vtrunc.f32 v11;
	v15 =	vcvt.f32.s32 v15;
	v23 =	vld [tilespmem:s23+$0x4820]  }
0x125: {  	v11 =	vcvt.f32.s32 v11;
	v18 =	vmul.f32 $2.560000000e+02, v18;
	v24 =	vld [tilespmem:s23+$0x4400]  }
0x126: {  	v10 =	vtrunc.f32 v10;
	v12 =	vmul.f32 $2.560000000e+02, v12;
	v25 =	vld [tilespmem:s23+$0x4410]  }
0x127: {  	v13 =	vtrunc.f32 v13;
	v18 =	vtrunc.f32 v18;
	v26 =	vld [tilespmem:s23+$0x4420]  }
0x128: {  	v19 =	vmul.f32 $2.560000000e+02, v19;
	v12 =	vtrunc.f32 v12;
	v27 =	vld [tilespmem:s23+$0x4430]  }
0x129: {  	v18 =	vcvt.f32.s32 v18;
	v28 =	vld [tilespmem:s23+$0x4800];
	v23 =	vmul.f32 $2.560000000e+02, v23  }
0x12a: {  	v19 =	vtrunc.f32 v19;
	v29 =	vld [tilespmem:s23+$0x4460];
	v24 =	vmul.f32 $2.560000000e+02, v24  }
0x12b: {  	v10 =	vcvt.f32.s32 v10;
	v30 =	vld [tilespmem:s23+$0x4C70];
	v25 =	vmul.f32 $2.560000000e+02, v25  }
0x12c: {  	v13 =	vcvt.f32.s32 v13;
	v31 =	vld [tilespmem:s23+$0x4C60];
	v24 =	vtrunc.f32 v24  }
0x12d: {  	v26 =	vmul.f32 $2.560000000e+02, v26;
	v32 =	vld [tilespmem:s23+$0x4C40];
	v24 =	vcvt.f32.s32 v24  }
0x12e: {  	v19 =	vcvt.f32.s32 v19;
	v27 =	vmul.f32 $2.560000000e+02, v27;
	v33 =	vld [tilespmem:s23+$0x4870]  }
0x12f: {  	v12 =	vcvt.f32.s32 v12;
	[tilespmem:v11+s13+$0x0] =	vst.idx.add.f32.msk $0xffff, v1;
	v11 =	vtrunc.f32 v26  }
0x130: {  	v25 =	vtrunc.f32 v25;
	v26 =	vtrunc.f32 v27  }
0x131: {  	[tilespmem:v10+s13+$0x0] =	vst.idx.add.f32.msk $0xffff, v1;
	v10 =	vcvt.f32.s32 v26;
	v26 =	vmul.f32 $2.560000000e+02, v29  }
0x132: {  	v11 =	vcvt.f32.s32 v11;
	[tilespmem:v13+s13+$0x0] =	vst.idx.add.f32.msk $0xffff, v1;
	v13 =	vmul.f32 $2.560000000e+02, v28  }
0x133: {  	v22 =	vmul.f32 $2.560000000e+02, v22;
	v26 =	vtrunc.f32 v26  }
0x134: {  	v25 =	vcvt.f32.s32 v25;
	[tilespmem:v19+s13+$0x0] =	vst.idx.add.f32.msk $0xffff, v1;
	v13 =	vtrunc.f32 v13  }
0x135: {  	v19 =	vmul.f32 $2.560000000e+02, v21;
	[tilespmem:v18+s13+$0x0] =	vst.idx.add.f32.msk $0xffff, v1;
	v18 =	vtrunc.f32 v22  }
0x136: {  	[tilespmem:v12+s13+$0x0] =	vst.idx.add.f32.msk $0xffff, v1;
	v12 =	vcvt.f32.s32 v13;
	v13 =	vmul.f32 $2.560000000e+02, v32  }
0x137: {  	v21 =	vcvt.f32.s32 v26;
	[tilespmem:v14+s13+$0x0] =	vst.idx.add.f32.msk $0xffff, v1;
	v14 =	vtrunc.f32 v23  }
0x138: {  	[tilespmem:v17+s13+$0x0] =	vst.idx.add.f32.msk $0xffff, v1;
	v14 =	vcvt.f32.s32 v14;
	v17 =	vtrunc.f32 v19  }
0x139: {  	v13 =	vtrunc.f32 v13;
	v19 =	vmul.f32 $2.560000000e+02, v31;
	[tilespmem:v24+s13+$0x0] =	vst.idx.add.f32.msk $0xffff, v1  }
0x13a: {  	v20 =	vmul.f32 $2.560000000e+02, v20;
	v22 =	vmul.f32 $2.560000000e+02, v33;
	[tilespmem:v25+s13+$0x0] =	vst.idx.add.f32.msk $0xffff, v1  }
0x13b: {  	[tilespmem:v11+s13+$0x0] =	vst.idx.add.f32.msk $0xffff, v1;
	v11 =	vtrunc.f32 v19;
	v19 =	vmul.f32 $2.560000000e+02, v30  }
0x13c: {  	[tilespmem:v10+s13+$0x0] =	vst.idx.add.f32.msk $0xffff, v1;
	v10 =	vtrunc.f32 v20;
	v20 =	vtrunc.f32 v22  }
0x13d: {  	v18 =	vcvt.f32.s32 v18;
	[tilespmem:v16+s13+$0x0] =	vst.idx.add.f32.msk $0xffff, v1;
	v16 =	vtrunc.f32 v19  }
0x13e: {  	v5 =	vmul.f32 $2.560000000e+02, v5;
	v17 =	vcvt.f32.s32 v17;
	[tilespmem:v15+s13+$0x0] =	vst.idx.add.f32.msk $0xffff, v1  }
0x13f: {  	v6 =	vmul.f32 $2.560000000e+02, v6;
	v10 =	vcvt.f32.s32 v10;
	[tilespmem:v21+s13+$0x0] =	vst.idx.add.f32.msk $0xffff, v1  }
0x140: {  	v8 =	vcvt.f32.s32 v8;
	[tilespmem:v4+s13+$0x0] =	vst.idx.add.f32.msk $0xffff, v1;
	v4 =	vmul.f32 $2.560000000e+02, v9  }
0x141: {  	v6 =	vtrunc.f32 v6;
	v9 =	vcvt.f32.s32 v20;
	[tilespmem:v12+s13+$0x0] =	vst.idx.add.f32.msk $0xffff, v1  }
0x142: {  	v7 =	vtrunc.f32 v7;
	[tilespmem:v2+s13+$0x0] =	vst.idx.add.f32.msk $0xffff, v1;
	v2 =	vtrunc.f32 v4  }
0x143: {  	v7 =	vcvt.f32.s32 v7;
	v4 =	vtrunc.f32 v5;
	[tilespmem:v14+s13+$0x0] =	vst.idx.add.f32.msk $0xffff, v1  }
0x144: {  	v12 =	vcvt.f32.s32 v4;
	[tilespmem:v18+s13+$0x0] =	vst.idx.add.f32.msk $0xffff, v1  }
0x145: {  	v6 =	vcvt.f32.s32 v6;
	[tilespmem:v17+s13+$0x0] =	vst.idx.add.f32.msk $0xffff, v1  }
0x146: {  	v13 =	vcvt.f32.s32 v13;
	[tilespmem:v10+s13+$0x0] =	vst.idx.add.f32.msk $0xffff, v1  }
0x147: {  	v4 =	vcvt.f32.s32 v2;
	[tilespmem:v8+s13+$0x0] =	vst.idx.add.f32.msk $0xffff, v1  }
0x148: {  	v2 =	vcvt.f32.s32 v11;
	[tilespmem:v9+s13+$0x0] =	vst.idx.add.f32.msk $0xffff, v1  }
.Ltmp3:
0x149: {  	v5 =	vcvt.f32.s32 v16;
	[tilespmem:v3+s13+$0x0] =	vst.idx.add.f32.msk $0xffff, v1;
	(pc) =	sbr.rel @p1 .LBB2_5-.Ltmp3, $4  }
0x14a: {  	[tilespmem:v7+s13+$0x0] =	vst.idx.add.f32.msk $0xffff, v1  }
0x14b: {  	[tilespmem:v12+s13+$0x0] =	vst.idx.add.f32.msk $0xffff, v1  }
0x14c: {  	[tilespmem:v6+s13+$0x0] =	vst.idx.add.f32.msk $0xffff, v1  }
0x14d: {  	s21 =	sadd.s32 $0x80, s21;
	s24 =	smov.u32 s22;
	[tilespmem:v13+s13+$0x0] =	vst.idx.add.f32.msk $0xffff, v1  }
0x14e: {  	_ =	sdelay $0x1  }
.Ltmp4:
0x14f: {  	_ = 	snop;
	(pc) =	sbr.rel @p0 .LBB2_8-.Ltmp4, $4  }
0x150: {  	_ = 	snop  }
0x151: {  	[tilespmem:v4+s13+$0x0] =	vst.idx.add.f32.msk $0xffff, v1  }
0x152: {  	[tilespmem:v2+s13+$0x0] =	vst.idx.add.f32.msk $0xffff, v1  }
0x153: {  	[tilespmem:v5+s13+$0x0] =	vst.idx.add.f32.msk $0xffff, v1  }
0x154: {  	s20 =	sadd.s32 s20, s8  }
0x155: {  	s21 =	sshrl.u32 s20, $0x4  }
0x156: {  	s21 =	smul.u32 $0xC0000, s21  }
0x157: {  	s20 =	sshll.u32 s20, $0xE  }
.Ltmp5:
0x158: {  	s20 =	sand.u32 $0x3C000, s20;
	s21 =	sadd.s32 s4, s21;
	(pc) =	sbr.rel .LBB2_2-.Ltmp5, $4  }
0x159: {  	s20 =	sor.u32 s20, s21  }
0x15a: {  	s20 =	sshrl.u32 s20, $0x3  }
0x15b: {  	s19 =	sadd.s32 $0x1, s19;
	s20 =	sadd.s32 s1, s20  }
0x15c: {  	[tilespmem:s11], [sflag:$0x2] =	stream.linear.gather [hbm4b:s20+s3], $0x4000, $0x38;
	[tilespmem:$0x8100] =	vst v63  }
.LBB2_9:
0x15d: {  	_ =	sfence.sel $0x180000  }
0x15e: {  	[bflag:$0x0] =	sbarrier.arrive $0xFFFF  }
0x15f: {  	p0 =	sne.s32 s0, $0x0;
	_ =	strace $0x90000047  }
0x160: {  	s0 =	sadd.s32 @!p0 $0x100000, s2;
	[bflag:$0x2] =	sbarrier.arrive $0xFFFF  }
0x161: {  	[sflag:s0] =	ssyncadd.tile.s32 @!p0 $0x1;
	_ =	shalt  }
.Lfunc_end2:
_tile_overlayer_lowered:
.L_overlay_start_2:
0x162: {  	(tag) =	ssettag $0x2  }
0x163: {  	s0 =	rddreg [dreg:$0x0];
	s2 =	stileid.u32  }
0x164: {  	s1 =	rddreg [dreg:$0x1];
	p0 =	sne.s32 s2, $0x0  }
0x165: {  	s3 =	rddreg [dreg:$0x2];
	[bflag:$0x3] =	sbarrier.arrive $0xFFFF;
	s2 =	simm.s32 @!p0 $0x1C03  }
0x166: {  	[timem:s3], [sflag:s2] =	dma.local @!p0 [hbm:s0], s1  }
0x167: {  	s0 =	simm.s32 @!p0 $0x3  }
0x168: {  	_ =	swait.ge @!p0 [sflag:s0], s1  }
0x169: {  	s1 =	ssub.s32 @!p0 $0x0, s1;
	[sflag:s0] =	ssyncset.done @!p0 $0x0  }
0x16a: {  	[sflag:s0] =	ssyncadd.s32 @!p0 s1  }
0x16b: {  	[bflag:$0x3] =	sbarrier.arrive $0xFFFF  }
0x16c: {  	_ =	shalt  }

</sc_bundles>
